<compile_context>
chip_gen: v7x
topology: tpu7x:2x2x1
jax: 0.10.2.dev20260603
libtpu: 0.0.44.dev20260713+nightly
codegen_flags: <defaults>
</compile_context>

<pallas_src>
import functools

import jax
import jax.numpy as jnp
from jax import lax
from jax.experimental import pallas as pl
from jax.experimental.pallas import tpu as pltpu
from jax.experimental.pallas import tpu_sc as plsc

VOCAB = 28996
DIM = 768


_BLK = 1024


def _stats_body(emb_ref, sum_ref, sq_ref):
    i = pl.program_id(0)
    x = emb_ref[...]
    row = lax.broadcasted_iota(jnp.int32, x.shape, 0) + i * _BLK
    x = jnp.where(row < VOCAB, x, 0.0)
    s = jnp.sum(x, axis=0, keepdims=True)
    q = jnp.sum(x * x, axis=0, keepdims=True)

    @pl.when(i == 0)
    def _():
        sum_ref[...] = s
        sq_ref[...] = q

    @pl.when(i > 0)
    def _():
        sum_ref[...] += s
        sq_ref[...] += q


def _column_stats(embeddings):
    grid = (VOCAB + _BLK - 1) // _BLK
    s, q = pl.pallas_call(
        _stats_body,
        grid=(grid,),
        in_specs=[pl.BlockSpec((_BLK, DIM), lambda i: (i, 0))],
        out_specs=[
            pl.BlockSpec((1, DIM), lambda i: (0, 0)),
            pl.BlockSpec((1, DIM), lambda i: (0, 0)),
        ],
        out_shape=[
            jax.ShapeDtypeStruct((1, DIM), jnp.float32),
            jax.ShapeDtypeStruct((1, DIM), jnp.float32),
        ],
    )(embeddings)
    n = jnp.float32(VOCAB)
    mean = s[0] / n
    var = (q[0] - s[0] * s[0] / n) / (n - 1.0)
    rstd = lax.rsqrt(var)
    return mean, rstd



_NW = 32
_L = 16
_VCH = 40
_VP = 30720


def _make_norm_table():
    rpt = _VP // _NW
    nch = rpt // _VCH
    mesh = plsc.VectorSubcoreMesh(core_axis_name="c", subcore_axis_name="s")

    @functools.partial(
        pl.kernel,
        mesh=mesh,
        out_type=jax.ShapeDtypeStruct((_VP, DIM), jnp.float32),
        scratch_types=[
            pltpu.VMEM((rpt,), jnp.int32),
            pltpu.VMEM((DIM,), jnp.float32),
            pltpu.VMEM((DIM,), jnp.float32),
            pltpu.VMEM((_VCH, DIM), jnp.float32),
            pltpu.VMEM((_VCH, DIM), jnp.float32),
            pltpu.SemaphoreType.DMA,
            pltpu.SemaphoreType.DMA,
            pltpu.SemaphoreType.DMA,
            pltpu.SemaphoreType.DMA,
        ],
    )
    def norm_table(table_hbm, iota_hbm, mean_hbm, rstd_hbm, ntab_hbm,
                   idx_v, mean_v, rstd_v, buf0, buf1, gs0, gs1, ws0, ws1):
        bufs, gsem, wsem = (buf0, buf1), (gs0, gs1), (ws0, ws1)
        wid = lax.axis_index("s") * 2 + lax.axis_index("c")
        base = wid * rpt
        pltpu.sync_copy(iota_hbm.at[pl.ds(base, rpt)], idx_v)
        pltpu.sync_copy(mean_hbm, mean_v)
        pltpu.sync_copy(rstd_hbm, rstd_v)

        for b in range(2):
            pltpu.async_copy(table_hbm.at[idx_v.at[pl.ds(b * _VCH, _VCH)]],
                             bufs[b], gsem[b])

        def step_slot(c, b):
            buf = bufs[b]
            pltpu.make_async_copy(
                table_hbm.at[idx_v.at[pl.ds(c * _VCH, _VCH)]],
                buf, gsem[b]).wait()

            @plsc.parallel_loop(0, DIM // _L, unroll=2)
            def _col(j):
                mj = mean_v[pl.ds(j * _L, _L)]
                rj = rstd_v[pl.ds(j * _L, _L)]

                @plsc.parallel_loop(0, _VCH, unroll=4)
                def _row(t):
                    x = buf[t, pl.ds(j * _L, _L)]
                    buf[t, pl.ds(j * _L, _L)] = (x - mj) * rj

            pltpu.async_copy(buf, ntab_hbm.at[pl.ds(base + c * _VCH, _VCH)],
                             wsem[b])

            @pl.when(c + 2 < nch)
            def _():
                pltpu.make_async_copy(
                    buf, ntab_hbm.at[pl.ds(base + c * _VCH, _VCH)],
                    wsem[b]).wait()
                pltpu.async_copy(
                    table_hbm.at[idx_v.at[pl.ds((c + 2) * _VCH, _VCH)]],
                    bufs[b], gsem[b])

        def ring(p, carry):
            for b in range(2):
                step_slot(p * 2 + b, b)
            return carry

        lax.fori_loop(0, nch // 2, ring, 0)
        for b in range(2):
            pltpu.make_async_copy(
                bufs[b], ntab_hbm.at[pl.ds(base, _VCH)], wsem[b]).wait()

    return norm_table



_RB = 2
_NB = 2


def _make_gather(BATCH, T):
    bpw = BATCH // _NW
    nch = bpw // _RB
    ipc = _RB * T
    mesh = plsc.VectorSubcoreMesh(core_axis_name="c", subcore_axis_name="s")

    @functools.partial(
        pl.kernel,
        mesh=mesh,
        out_type=jax.ShapeDtypeStruct((BATCH, T, DIM), jnp.float32),
        scratch_types=[
            pltpu.VMEM((bpw * T,), jnp.int32),
            pltpu.VMEM((1, T, DIM), jnp.float32),
            pltpu.VMEM((1, T, DIM), jnp.float32),
        ]
        + [pltpu.VMEM((ipc, DIM), jnp.float32) for _ in range(_NB)]
        + [pltpu.SemaphoreType.DMA for _ in range(_NB + _RB)],
    )
    def gather(ntab_hbm, ids_hbm, out_hbm, idx_v, obufA, obufB, *rest):
        obuf = (obufA, obufB)
        gbuf = rest[:_NB]
        gsem = rest[_NB:2 * _NB]
        wsem = rest[2 * _NB:]
        wid = lax.axis_index("s") * 2 + lax.axis_index("c")
        base = wid * bpw
        pltpu.sync_copy(ids_hbm.at[pl.ds(base * T, bpw * T)], idx_v)

        for b in range(_NB):
            pltpu.async_copy(
                ntab_hbm.at[idx_v.at[pl.ds(b * ipc, ipc)]],
                gbuf[b], gsem[b])

        def step_slot(c, b):
            pltpu.make_async_copy(
                ntab_hbm.at[idx_v.at[pl.ds(c * ipc, ipc)]],
                gbuf[b], gsem[b]).wait()

            for r in range(_RB):
                @pl.when(c > 0)
                def _():
                    pltpu.make_async_copy(
                        obuf[r], out_hbm.at[pl.ds(base, 1)],
                        wsem[r]).wait()

                @plsc.parallel_loop(0, DIM // _L, unroll=2)
                def _col(j):
                    @plsc.parallel_loop(0, T, unroll=4)
                    def _row(t):
                        obuf[r][0, t, pl.ds(j * _L, _L)] = (
                            gbuf[b][r * T + t, pl.ds(j * _L, _L)])

                pltpu.async_copy(
                    obuf[r], out_hbm.at[pl.ds(base + c * _RB + r, 1)],
                    wsem[r])

            @pl.when(c + _NB < nch)
            def _():
                pltpu.async_copy(
                    ntab_hbm.at[idx_v.at[pl.ds((c + _NB) * ipc, ipc)]],
                    gbuf[b], gsem[b])

        def ring(p, carry):
            for b in range(_NB):
                step_slot(p * _NB + b, b)
            return carry

        lax.fori_loop(0, nch // _NB, ring, 0)
        for r in range(_RB):
            pltpu.make_async_copy(obuf[r], out_hbm.at[pl.ds(base, 1)],
                                  wsem[r]).wait()

    return gather




def kernel(input_ids, embeddings):
    ids = input_ids.reshape(-1).astype(jnp.int32)
    BATCH, T = input_ids.shape
    iota = jnp.minimum(jnp.arange(_VP, dtype=jnp.int32), VOCAB - 1)
    mean, rstd = _column_stats(embeddings)
    ntab = _make_norm_table()(embeddings, iota, mean, rstd)
    return _make_gather(BATCH, T)(ntab, ids)

# --- scband reference (transcript-rebuilt; emitter-appended) ---
"""Pipeline reference for scband-encoder-76424648065309 (READ-ONLY COPY).

The authoritative reference and input builder live on the scoring server;
editing this copy changes nothing except your own understanding.
"""

import jax, jax.numpy as jnp
import numpy as np

VOCAB = 28996
DIM = 768

def setup_inputs(seed: int = 0) -> dict:
    key = jax.random.key(seed)
    k1, k2 = jax.random.split(key)
    embeddings = jax.random.normal(k1, (VOCAB, DIM), dtype=jnp.float32) * 0.02
    input_ids = jax.random.randint(k2, (4096, 20), 0, VOCAB, dtype=jnp.int64)
    return {"input_ids": input_ids, "embeddings": embeddings}

def reference(input_ids, embeddings):
    # __init__ normalization: per-feature mean/std over (used) vocab rows.
    # We treat all ids as used (standalone reference has no tokenizer).
    emb_mean = jnp.mean(embeddings, axis=0, keepdims=True)
    # torch.std uses unbiased estimator (ddof=1)
    emb_std = jnp.std(embeddings, axis=0, keepdims=True, ddof=1)
    normed = (embeddings - emb_mean) / emb_std
    # forward: plain embedding gather
    return jnp.take(normed, input_ids, axis=0)

if __name__ == "__main__":
    import jax
    _d = setup_inputs()
    print(jax.jit(kernel)(*tuple(_d.values())))

</pallas_src>

<mosaic_0001>
#map = affine_map<(d0, d1) -> (0, 0)>
#map1 = affine_map<(d0, d1) -> (0)>
module attributes {stable_mosaic.version = 14 : i64} {
  func.func @norm_table(%arg0: i32, %arg1: i32, %arg2: memref<28996x768xf32, #tpu.memory_space<hbm>>, %arg3: memref<30720xi32, #tpu.memory_space<hbm>>, %arg4: memref<768xf32, #tpu.memory_space<hbm>>, %arg5: memref<768xf32, #tpu.memory_space<hbm>>, %arg6: memref<30720x768xf32, #tpu.memory_space<hbm>>, %arg7: memref<960xi32, #tpu.memory_space<vmem>>, %arg8: memref<768xf32, #tpu.memory_space<vmem>>, %arg9: memref<768xf32, #tpu.memory_space<vmem>>, %arg10: memref<40x768xf32, #tpu.memory_space<vmem>>, %arg11: memref<40x768xf32, #tpu.memory_space<vmem>>, %arg12: memref<!tpu.dma_semaphore, #tpu.memory_space<semaphore_mem>>, %arg13: memref<!tpu.dma_semaphore, #tpu.memory_space<semaphore_mem>>, %arg14: memref<!tpu.dma_semaphore, #tpu.memory_space<semaphore_mem>>, %arg15: memref<!tpu.dma_semaphore, #tpu.memory_space<semaphore_mem>>) attributes {dimension_semantics = [#tpu.dimension_semantics<core_parallel>, #tpu.dimension_semantics<subcore_parallel>], iteration_bounds = array<i64: 2, 16>, scalar_prefetch = 0 : i64, scratch_operands = 9 : i64, tpu.core_type = #tpu.core_type<sc_vector_subcore>, window_params = [{transform_indices = #map}, {transform_indices = #map1}, {transform_indices = #map1}, {transform_indices = #map1}, {transform_indices = #map}]} {
    %mul3A = arith.constant 2 : i32
    %mul3A_0 = arith.muli %arg1, %mul3A : i32
    %add3A = arith.addi %mul3A_0, %arg0 : i32
    %mul3A_1 = arith.constant 960 : i32
    %mul3A_2 = arith.muli %add3A, %mul3A_1 : i32
    "tpu.region"() ({
      %run_scoped3A = tpu.sem_alloc : memref<!tpu.dma_semaphore, #tpu.memory_space<semaphore_mem>>
      %dma_start3A_24 = tpu.memref_slice %arg3[%mul3A_2] : memref<30720xi32, #tpu.memory_space<hbm>> -> memref<960xi32, #tpu.memory_space<hbm>>
      %dma_start3A_25 = tpu.memref_slice %arg3[%mul3A_2] : memref<30720xi32, #tpu.memory_space<hbm>> -> memref<960xi32, #tpu.memory_space<hbm>>
      tpu.enqueue_dma source(%dma_start3A_25 : memref<960xi32, #tpu.memory_space<hbm>>) target(%arg7 : memref<960xi32, #tpu.memory_space<vmem>>) target_semaphore(%run_scoped3A : memref<!tpu.dma_semaphore, #tpu.memory_space<semaphore_mem>>)
      %dma_wait3A_26 = tpu.memref_slice %arg3[%mul3A_2] : memref<30720xi32, #tpu.memory_space<hbm>> -> memref<960xi32, #tpu.memory_space<hbm>>
      %dma_wait3A_27 = tpu.memref_slice %arg3[%mul3A_2] : memref<30720xi32, #tpu.memory_space<hbm>> -> memref<960xi32, #tpu.memory_space<hbm>>
      tpu.wait_dma2 semaphore(%run_scoped3A : memref<!tpu.dma_semaphore, #tpu.memory_space<semaphore_mem>>) src(%dma_wait3A_27 : memref<960xi32, #tpu.memory_space<hbm>>) dst(%arg7 : memref<960xi32, #tpu.memory_space<vmem>>)
      tpu.yield
    }) : () -> ()
    "tpu.region"() ({
      %run_scoped3A = tpu.sem_alloc : memref<!tpu.dma_semaphore, #tpu.memory_space<semaphore_mem>>
      tpu.enqueue_dma source(%arg4 : memref<768xf32, #tpu.memory_space<hbm>>) target(%arg8 : memref<768xf32, #tpu.memory_space<vmem>>) target_semaphore(%run_scoped3A : memref<!tpu.dma_semaphore, #tpu.memory_space<semaphore_mem>>)
      tpu.wait_dma2 semaphore(%run_scoped3A : memref<!tpu.dma_semaphore, #tpu.memory_space<semaphore_mem>>) src(%arg4 : memref<768xf32, #tpu.memory_space<hbm>>) dst(%arg8 : memref<768xf32, #tpu.memory_space<vmem>>)
      tpu.yield
    }) : () -> ()
    "tpu.region"() ({
      %run_scoped3A = tpu.sem_alloc : memref<!tpu.dma_semaphore, #tpu.memory_space<semaphore_mem>>
      tpu.enqueue_dma source(%arg5 : memref<768xf32, #tpu.memory_space<hbm>>) target(%arg9 : memref<768xf32, #tpu.memory_space<vmem>>) target_semaphore(%run_scoped3A : memref<!tpu.dma_semaphore, #tpu.memory_space<semaphore_mem>>)
      tpu.wait_dma2 semaphore(%run_scoped3A : memref<!tpu.dma_semaphore, #tpu.memory_space<semaphore_mem>>) src(%arg5 : memref<768xf32, #tpu.memory_space<hbm>>) dst(%arg9 : memref<768xf32, #tpu.memory_space<vmem>>)
      tpu.yield
    }) : () -> ()
    %dma_start3A = arith.constant 0 : i32
    %dma_start3A_3 = tpu.memref_slice %arg7[%dma_start3A] : memref<960xi32, #tpu.memory_space<vmem>> -> memref<40xi32, #tpu.memory_space<vmem>>
    %dma_start3A_4 = arith.constant 0 : i32
    %dma_start3A_5 = arith.constant 0 : i32
    %dma_start3A_6 = tpu.memref_slice %arg2[%dma_start3A_4, %dma_start3A_5] : memref<28996x768xf32, #tpu.memory_space<hbm>> -> memref<28996x768xf32, #tpu.memory_space<hbm>>
    tpu.enqueue_indirect_dma source(%dma_start3A_6 : memref<28996x768xf32, #tpu.memory_space<hbm>>) target(%arg10 : memref<40x768xf32, #tpu.memory_space<vmem>>) offsets(%dma_start3A_3 : memref<40xi32, #tpu.memory_space<vmem>>) semaphore(%arg12 : memref<!tpu.dma_semaphore, #tpu.memory_space<semaphore_mem>>)
    %dma_start3A_7 = arith.constant 40 : i32
    %dma_start3A_8 = tpu.memref_slice %arg7[%dma_start3A_7] : memref<960xi32, #tpu.memory_space<vmem>> -> memref<40xi32, #tpu.memory_space<vmem>>
    %dma_start3A_9 = arith.constant 0 : i32
    %dma_start3A_10 = arith.constant 0 : i32
    %dma_start3A_11 = tpu.memref_slice %arg2[%dma_start3A_9, %dma_start3A_10] : memref<28996x768xf32, #tpu.memory_space<hbm>> -> memref<28996x768xf32, #tpu.memory_space<hbm>>
    tpu.enqueue_indirect_dma source(%dma_start3A_11 : memref<28996x768xf32, #tpu.memory_space<hbm>>) target(%arg11 : memref<40x768xf32, #tpu.memory_space<vmem>>) offsets(%dma_start3A_8 : memref<40xi32, #tpu.memory_space<vmem>>) semaphore(%arg13 : memref<!tpu.dma_semaphore, #tpu.memory_space<semaphore_mem>>)
    %scan3A = arith.constant 0 : i32
    %scan3A_12 = arith.constant 0 : i32
    %scan3A_13 = arith.constant 12 : i32
    %scan3A_14 = arith.addi %scan3A_12, %scan3A_13 : i32
    %scan3A_15 = arith.constant 1 : i32
    scf.for %scan3A_24 = %scan3A_12 to %scan3A_14 step %scan3A_15  : i32 {
      %mul3A_25 = arith.constant 2 : i32
      %mul3A_26 = arith.muli %scan3A_24, %mul3A_25 : i32
      %add3A_27 = arith.constant 0 : i32
      %add3A_28 = arith.addi %mul3A_26, %add3A_27 : i32
      %mul3A_29 = arith.constant 40 : i32
      %mul3A_30 = arith.muli %add3A_28, %mul3A_29 : i32
      %dma_wait3A_31 = tpu.memref_slice %arg7[%mul3A_30] : memref<960xi32, #tpu.memory_space<vmem>> -> memref<40xi32, #tpu.memory_space<vmem>>
      %dma_wait3A_32 = arith.constant 0 : i32
      %dma_wait3A_33 = arith.constant 0 : i32
      %dma_wait3A_34 = tpu.memref_slice %arg2[%dma_wait3A_32, %dma_wait3A_33] : memref<28996x768xf32, #tpu.memory_space<hbm>> -> memref<28996x768xf32, #tpu.memory_space<hbm>>
      tpu.wait_indirect_dma semaphore(%arg12 : memref<!tpu.dma_semaphore, #tpu.memory_space<semaphore_mem>>) src(%dma_wait3A_34 : memref<28996x768xf32, #tpu.memory_space<hbm>>) dst(%arg10 : memref<40x768xf32, #tpu.memory_space<vmem>>)
      %parallel_loop3A = arith.constant 0 : i32
      %parallel_loop3A_35 = arith.constant 48 : i32
      %parallel_loop3A_36 = arith.constant 1 : i32
      scf.for %parallel_loop3A_75 = %parallel_loop3A to %parallel_loop3A_35 step %parallel_loop3A_36  : i32 {
        %parallel_loop3A_76 = arith.constant 16 : i32
        %parallel_loop3A_77 = arith.muli %parallel_loop3A_75, %parallel_loop3A_76 : i32
        %parallel_loop3A_78 = arith.index_cast %parallel_loop3A_77 : i32 to index
        %parallel_loop3A_79 = tpu.vector_load %arg8[%parallel_loop3A_78] {strides = array<i32>} : memref<768xf32, #tpu.memory_space<vmem>>, vector<16xf32>,
        %parallel_loop3A_80 = vector.shape_cast %parallel_loop3A_79 : vector<16xf32> to vector<16xf32>
        %parallel_loop3A_81 = arith.constant 16 : i32
        %parallel_loop3A_82 = arith.muli %parallel_loop3A_75, %parallel_loop3A_81 : i32
        %parallel_loop3A_83 = arith.index_cast %parallel_loop3A_82 : i32 to index
        %parallel_loop3A_84 = tpu.vector_load %arg9[%parallel_loop3A_83] {strides = array<i32>} : memref<768xf32, #tpu.memory_space<vmem>>, vector<16xf32>,
        %parallel_loop3A_85 = vector.shape_cast %parallel_loop3A_84 : vector<16xf32> to vector<16xf32>
        %parallel_loop3A_86 = arith.constant 0 : i32
        %parallel_loop3A_87 = arith.constant 40 : i32
        %parallel_loop3A_88 = arith.constant 1 : i32
        scf.for %parallel_loop3A_89 = %parallel_loop3A_86 to %parallel_loop3A_87 step %parallel_loop3A_88  : i32 {
          %parallel_loop3A_90 = arith.constant 16 : i32
          %parallel_loop3A_91 = arith.muli %parallel_loop3A_75, %parallel_loop3A_90 : i32
          %parallel_loop3A_92 = arith.index_cast %parallel_loop3A_89 : i32 to index
          %parallel_loop3A_93 = arith.index_cast %parallel_loop3A_91 : i32 to index
          %parallel_loop3A_94 = tpu.vector_load %arg10[%parallel_loop3A_92, %parallel_loop3A_93] {strides = array<i32>} : memref<40x768xf32, #tpu.memory_space<vmem>>, vector<1x16xf32>,
          %parallel_loop3A_95 = vector.shape_cast %parallel_loop3A_94 : vector<1x16xf32> to vector<16xf32>
          %parallel_loop3A_96 = arith.subf %parallel_loop3A_95, %parallel_loop3A_80 : vector<16xf32>
          %parallel_loop3A_97 = arith.mulf %parallel_loop3A_96, %parallel_loop3A_85 : vector<16xf32>
          %parallel_loop3A_98 = arith.constant 16 : i32
          %parallel_loop3A_99 = arith.muli %parallel_loop3A_75, %parallel_loop3A_98 : i32
          %parallel_loop3A_100 = arith.index_cast %parallel_loop3A_89 : i32 to index
          %parallel_loop3A_101 = arith.index_cast %parallel_loop3A_99 : i32 to index
          %parallel_loop3A_102 = tpu.vector_load %arg10[%parallel_loop3A_100, %parallel_loop3A_101] {strides = array<i32>} : memref<40x768xf32, #tpu.memory_space<vmem>>, vector<1x16xf32>,
          %parallel_loop3A_103 = vector.shape_cast %parallel_loop3A_102 : vector<1x16xf32> to vector<16xf32>
          %parallel_loop3A_104 = vector.shape_cast %parallel_loop3A_97 : vector<16xf32> to vector<1x16xf32>
          tpu.vector_store %arg10[%parallel_loop3A_100, %parallel_loop3A_101], %parallel_loop3A_104 {strides = array<i32>} : memref<40x768xf32, #tpu.memory_space<vmem>>, vector<1x16xf32>,
        } {sc.loop_unroll_factor = 4 : i64, sc.parallel_access}
      } {sc.loop_unroll_factor = 2 : i64, sc.parallel_access}
      %mul3A_37 = arith.constant 40 : i32
      %mul3A_38 = arith.muli %add3A_28, %mul3A_37 : i32
      %add3A_39 = arith.addi %mul3A_2, %mul3A_38 : i32
      %dma_start3A_40 = arith.constant 0 : i32
      %dma_start3A_41 = tpu.memref_slice %arg6[%add3A_39, %dma_start3A_40] : memref<30720x768xf32, #tpu.memory_space<hbm>> -> memref<40x768xf32, #tpu.memory_space<hbm>>
      %dma_start3A_42 = arith.constant 0 : i32
      %dma_start3A_43 = tpu.memref_slice %arg6[%add3A_39, %dma_start3A_42] : memref<30720x768xf32, #tpu.memory_space<hbm>> -> memref<40x768xf32, #tpu.memory_space<hbm>>
      tpu.enqueue_dma source(%arg10 : memref<40x768xf32, #tpu.memory_space<vmem>>) target(%dma_start3A_43 : memref<40x768xf32, #tpu.memory_space<hbm>>) target_semaphore(%arg14 : memref<!tpu.dma_semaphore, #tpu.memory_space<semaphore_mem>>)
      %add3A_44 = arith.constant 2 : i32
      %add3A_45 = arith.addi %add3A_28, %add3A_44 : i32
      %lt3A = arith.constant 24 : i32
      %lt3A_46 = arith.cmpi slt, %add3A_45, %lt3A : i32
      %convert_element_type3A = arith.extui %lt3A_46 : i1 to i32
      %cond3A = arith.constant 0 : i32
      %cond3A_47 = arith.cmpi ne, %convert_element_type3A, %cond3A : i32
      scf.if %cond3A_47 {
        %mul3A_75 = arith.constant 40 : i32
        %mul3A_76 = arith.muli %add3A_28, %mul3A_75 : i32
        %add3A_77 = arith.addi %mul3A_2, %mul3A_76 : i32
        %dma_wait3A_78 = arith.constant 0 : i32
        %dma_wait3A_79 = tpu.memref_slice %arg6[%add3A_77, %dma_wait3A_78] : memref<30720x768xf32, #tpu.memory_space<hbm>> -> memref<40x768xf32, #tpu.memory_space<hbm>>
        %dma_wait3A_80 = arith.constant 0 : i32
        %dma_wait3A_81 = tpu.memref_slice %arg6[%add3A_77, %dma_wait3A_80] : memref<30720x768xf32, #tpu.memory_space<hbm>> -> memref<40x768xf32, #tpu.memory_space<hbm>>
        tpu.wait_dma2 semaphore(%arg14 : memref<!tpu.dma_semaphore, #tpu.memory_space<semaphore_mem>>) src(%arg10 : memref<40x768xf32, #tpu.memory_space<vmem>>) dst(%dma_wait3A_81 : memref<40x768xf32, #tpu.memory_space<hbm>>)
        %add3A_82 = arith.constant 2 : i32
        %add3A_83 = arith.addi %add3A_28, %add3A_82 : i32
        %mul3A_84 = arith.constant 40 : i32
        %mul3A_85 = arith.muli %add3A_83, %mul3A_84 : i32
        %dma_start3A_86 = tpu.memref_slice %arg7[%mul3A_85] : memref<960xi32, #tpu.memory_space<vmem>> -> memref<40xi32, #tpu.memory_space<vmem>>
        %dma_start3A_87 = arith.constant 0 : i32
        %dma_start3A_88 = arith.constant 0 : i32
        %dma_start3A_89 = tpu.memref_slice %arg2[%dma_start3A_87, %dma_start3A_88] : memref<28996x768xf32, #tpu.memory_space<hbm>> -> memref<28996x768xf32, #tpu.memory_space<hbm>>
        tpu.enqueue_indirect_dma source(%dma_start3A_89 : memref<28996x768xf32, #tpu.memory_space<hbm>>) target(%arg10 : memref<40x768xf32, #tpu.memory_space<vmem>>) offsets(%dma_start3A_86 : memref<40xi32, #tpu.memory_space<vmem>>) semaphore(%arg12 : memref<!tpu.dma_semaphore, #tpu.memory_space<semaphore_mem>>)
      } else {
      }
      %mul3A_48 = arith.constant 2 : i32
      %mul3A_49 = arith.muli %scan3A_24, %mul3A_48 : i32
      %add3A_50 = arith.constant 1 : i32
      %add3A_51 = arith.addi %mul3A_49, %add3A_50 : i32
      %mul3A_52 = arith.constant 40 : i32
      %mul3A_53 = arith.muli %add3A_51, %mul3A_52 : i32
      %dma_wait3A_54 = tpu.memref_slice %arg7[%mul3A_53] : memref<960xi32, #tpu.memory_space<vmem>> -> memref<40xi32, #tpu.memory_space<vmem>>
      %dma_wait3A_55 = arith.constant 0 : i32
      %dma_wait3A_56 = arith.constant 0 : i32
      %dma_wait3A_57 = tpu.memref_slice %arg2[%dma_wait3A_55, %dma_wait3A_56] : memref<28996x768xf32, #tpu.memory_space<hbm>> -> memref<28996x768xf32, #tpu.memory_space<hbm>>
      tpu.wait_indirect_dma semaphore(%arg13 : memref<!tpu.dma_semaphore, #tpu.memory_space<semaphore_mem>>) src(%dma_wait3A_57 : memref<28996x768xf32, #tpu.memory_space<hbm>>) dst(%arg11 : memref<40x768xf32, #tpu.memory_space<vmem>>)
      %parallel_loop3A_58 = arith.constant 0 : i32
      %parallel_loop3A_59 = arith.constant 48 : i32
      %parallel_loop3A_60 = arith.constant 1 : i32
      scf.for %parallel_loop3A_75 = %parallel_loop3A_58 to %parallel_loop3A_59 step %parallel_loop3A_60  : i32 {
        %parallel_loop3A_76 = arith.constant 16 : i32
        %parallel_loop3A_77 = arith.muli %parallel_loop3A_75, %parallel_loop3A_76 : i32
        %parallel_loop3A_78 = arith.index_cast %parallel_loop3A_77 : i32 to index
        %parallel_loop3A_79 = tpu.vector_load %arg8[%parallel_loop3A_78] {strides = array<i32>} : memref<768xf32, #tpu.memory_space<vmem>>, vector<16xf32>,
        %parallel_loop3A_80 = vector.shape_cast %parallel_loop3A_79 : vector<16xf32> to vector<16xf32>
        %parallel_loop3A_81 = arith.constant 16 : i32
        %parallel_loop3A_82 = arith.muli %parallel_loop3A_75, %parallel_loop3A_81 : i32
        %parallel_loop3A_83 = arith.index_cast %parallel_loop3A_82 : i32 to index
        %parallel_loop3A_84 = tpu.vector_load %arg9[%parallel_loop3A_83] {strides = array<i32>} : memref<768xf32, #tpu.memory_space<vmem>>, vector<16xf32>,
        %parallel_loop3A_85 = vector.shape_cast %parallel_loop3A_84 : vector<16xf32> to vector<16xf32>
        %parallel_loop3A_86 = arith.constant 0 : i32
        %parallel_loop3A_87 = arith.constant 40 : i32
        %parallel_loop3A_88 = arith.constant 1 : i32
        scf.for %parallel_loop3A_89 = %parallel_loop3A_86 to %parallel_loop3A_87 step %parallel_loop3A_88  : i32 {
          %parallel_loop3A_90 = arith.constant 16 : i32
          %parallel_loop3A_91 = arith.muli %parallel_loop3A_75, %parallel_loop3A_90 : i32
          %parallel_loop3A_92 = arith.index_cast %parallel_loop3A_89 : i32 to index
          %parallel_loop3A_93 = arith.index_cast %parallel_loop3A_91 : i32 to index
          %parallel_loop3A_94 = tpu.vector_load %arg11[%parallel_loop3A_92, %parallel_loop3A_93] {strides = array<i32>} : memref<40x768xf32, #tpu.memory_space<vmem>>, vector<1x16xf32>,
          %parallel_loop3A_95 = vector.shape_cast %parallel_loop3A_94 : vector<1x16xf32> to vector<16xf32>
          %parallel_loop3A_96 = arith.subf %parallel_loop3A_95, %parallel_loop3A_80 : vector<16xf32>
          %parallel_loop3A_97 = arith.mulf %parallel_loop3A_96, %parallel_loop3A_85 : vector<16xf32>
          %parallel_loop3A_98 = arith.constant 16 : i32
          %parallel_loop3A_99 = arith.muli %parallel_loop3A_75, %parallel_loop3A_98 : i32
          %parallel_loop3A_100 = arith.index_cast %parallel_loop3A_89 : i32 to index
          %parallel_loop3A_101 = arith.index_cast %parallel_loop3A_99 : i32 to index
          %parallel_loop3A_102 = tpu.vector_load %arg11[%parallel_loop3A_100, %parallel_loop3A_101] {strides = array<i32>} : memref<40x768xf32, #tpu.memory_space<vmem>>, vector<1x16xf32>,
          %parallel_loop3A_103 = vector.shape_cast %parallel_loop3A_102 : vector<1x16xf32> to vector<16xf32>
          %parallel_loop3A_104 = vector.shape_cast %parallel_loop3A_97 : vector<16xf32> to vector<1x16xf32>
          tpu.vector_store %arg11[%parallel_loop3A_100, %parallel_loop3A_101], %parallel_loop3A_104 {strides = array<i32>} : memref<40x768xf32, #tpu.memory_space<vmem>>, vector<1x16xf32>,
        } {sc.loop_unroll_factor = 4 : i64, sc.parallel_access}
      } {sc.loop_unroll_factor = 2 : i64, sc.parallel_access}
      %mul3A_61 = arith.constant 40 : i32
      %mul3A_62 = arith.muli %add3A_51, %mul3A_61 : i32
      %add3A_63 = arith.addi %mul3A_2, %mul3A_62 : i32
      %dma_start3A_64 = arith.constant 0 : i32
      %dma_start3A_65 = tpu.memref_slice %arg6[%add3A_63, %dma_start3A_64] : memref<30720x768xf32, #tpu.memory_space<hbm>> -> memref<40x768xf32, #tpu.memory_space<hbm>>
      %dma_start3A_66 = arith.constant 0 : i32
      %dma_start3A_67 = tpu.memref_slice %arg6[%add3A_63, %dma_start3A_66] : memref<30720x768xf32, #tpu.memory_space<hbm>> -> memref<40x768xf32, #tpu.memory_space<hbm>>
      tpu.enqueue_dma source(%arg11 : memref<40x768xf32, #tpu.memory_space<vmem>>) target(%dma_start3A_67 : memref<40x768xf32, #tpu.memory_space<hbm>>) target_semaphore(%arg15 : memref<!tpu.dma_semaphore, #tpu.memory_space<semaphore_mem>>)
      %add3A_68 = arith.constant 2 : i32
      %add3A_69 = arith.addi %add3A_51, %add3A_68 : i32
      %lt3A_70 = arith.constant 24 : i32
      %lt3A_71 = arith.cmpi slt, %add3A_69, %lt3A_70 : i32
      %convert_element_type3A_72 = arith.extui %lt3A_71 : i1 to i32
      %cond3A_73 = arith.constant 0 : i32
      %cond3A_74 = arith.cmpi ne, %convert_element_type3A_72, %cond3A_73 : i32
      scf.if %cond3A_74 {
        %mul3A_75 = arith.constant 40 : i32
        %mul3A_76 = arith.muli %add3A_51, %mul3A_75 : i32
        %add3A_77 = arith.addi %mul3A_2, %mul3A_76 : i32
        %dma_wait3A_78 = arith.constant 0 : i32
        %dma_wait3A_79 = tpu.memref_slice %arg6[%add3A_77, %dma_wait3A_78] : memref<30720x768xf32, #tpu.memory_space<hbm>> -> memref<40x768xf32, #tpu.memory_space<hbm>>
        %dma_wait3A_80 = arith.constant 0 : i32
        %dma_wait3A_81 = tpu.memref_slice %arg6[%add3A_77, %dma_wait3A_80] : memref<30720x768xf32, #tpu.memory_space<hbm>> -> memref<40x768xf32, #tpu.memory_space<hbm>>
        tpu.wait_dma2 semaphore(%arg15 : memref<!tpu.dma_semaphore, #tpu.memory_space<semaphore_mem>>) src(%arg11 : memref<40x768xf32, #tpu.memory_space<vmem>>) dst(%dma_wait3A_81 : memref<40x768xf32, #tpu.memory_space<hbm>>)
        %add3A_82 = arith.constant 2 : i32
        %add3A_83 = arith.addi %add3A_51, %add3A_82 : i32
        %mul3A_84 = arith.constant 40 : i32
        %mul3A_85 = arith.muli %add3A_83, %mul3A_84 : i32
        %dma_start3A_86 = tpu.memref_slice %arg7[%mul3A_85] : memref<960xi32, #tpu.memory_space<vmem>> -> memref<40xi32, #tpu.memory_space<vmem>>
        %dma_start3A_87 = arith.constant 0 : i32
        %dma_start3A_88 = arith.constant 0 : i32
        %dma_start3A_89 = tpu.memref_slice %arg2[%dma_start3A_87, %dma_start3A_88] : memref<28996x768xf32, #tpu.memory_space<hbm>> -> memref<28996x768xf32, #tpu.memory_space<hbm>>
        tpu.enqueue_indirect_dma source(%dma_start3A_89 : memref<28996x768xf32, #tpu.memory_space<hbm>>) target(%arg11 : memref<40x768xf32, #tpu.memory_space<vmem>>) offsets(%dma_start3A_86 : memref<40xi32, #tpu.memory_space<vmem>>) semaphore(%arg13 : memref<!tpu.dma_semaphore, #tpu.memory_space<semaphore_mem>>)
      } else {
      }
    }
    %scan3A_16 = arith.constant 12 : i32
    %dma_wait3A = arith.constant 0 : i32
    %dma_wait3A_17 = tpu.memref_slice %arg6[%mul3A_2, %dma_wait3A] : memref<30720x768xf32, #tpu.memory_space<hbm>> -> memref<40x768xf32, #tpu.memory_space<hbm>>
    %dma_wait3A_18 = arith.constant 0 : i32
    %dma_wait3A_19 = tpu.memref_slice %arg6[%mul3A_2, %dma_wait3A_18] : memref<30720x768xf32, #tpu.memory_space<hbm>> -> memref<40x768xf32, #tpu.memory_space<hbm>>
    tpu.wait_dma2 semaphore(%arg14 : memref<!tpu.dma_semaphore, #tpu.memory_space<semaphore_mem>>) src(%arg10 : memref<40x768xf32, #tpu.memory_space<vmem>>) dst(%dma_wait3A_19 : memref<40x768xf32, #tpu.memory_space<hbm>>)
    %dma_wait3A_20 = arith.constant 0 : i32
    %dma_wait3A_21 = tpu.memref_slice %arg6[%mul3A_2, %dma_wait3A_20] : memref<30720x768xf32, #tpu.memory_space<hbm>> -> memref<40x768xf32, #tpu.memory_space<hbm>>
    %dma_wait3A_22 = arith.constant 0 : i32
    %dma_wait3A_23 = tpu.memref_slice %arg6[%mul3A_2, %dma_wait3A_22] : memref<30720x768xf32, #tpu.memory_space<hbm>> -> memref<40x768xf32, #tpu.memory_space<hbm>>
    tpu.wait_dma2 semaphore(%arg15 : memref<!tpu.dma_semaphore, #tpu.memory_space<semaphore_mem>>) src(%arg11 : memref<40x768xf32, #tpu.memory_space<vmem>>) dst(%dma_wait3A_23 : memref<40x768xf32, #tpu.memory_space<hbm>>)
    return
  }
}

#map = affine_map<(d0, d1) -> (0, 0)>
#map1 = affine_map<(d0, d1) -> (0)>
#map2 = affine_map<(d0, d1) -> (0, 0, 0)>
module attributes {stable_mosaic.version = 14 : i64} {
  func.func @gather(%arg0: i32, %arg1: i32, %arg2: memref<30720x768xf32, #tpu.memory_space<hbm>>, %arg3: memref<81920xi32, #tpu.memory_space<hbm>>, %arg4: memref<4096x20x768xf32, #tpu.memory_space<hbm>>, %arg5: memref<2560xi32, #tpu.memory_space<vmem>>, %arg6: memref<1x20x768xf32, #tpu.memory_space<vmem>>, %arg7: memref<1x20x768xf32, #tpu.memory_space<vmem>>, %arg8: memref<40x768xf32, #tpu.memory_space<vmem>>, %arg9: memref<40x768xf32, #tpu.memory_space<vmem>>, %arg10: memref<!tpu.dma_semaphore, #tpu.memory_space<semaphore_mem>>, %arg11: memref<!tpu.dma_semaphore, #tpu.memory_space<semaphore_mem>>, %arg12: memref<!tpu.dma_semaphore, #tpu.memory_space<semaphore_mem>>, %arg13: memref<!tpu.dma_semaphore, #tpu.memory_space<semaphore_mem>>) attributes {dimension_semantics = [#tpu.dimension_semantics<core_parallel>, #tpu.dimension_semantics<subcore_parallel>], iteration_bounds = array<i64: 2, 16>, scalar_prefetch = 0 : i64, scratch_operands = 9 : i64, tpu.core_type = #tpu.core_type<sc_vector_subcore>, window_params = [{transform_indices = #map}, {transform_indices = #map1}, {transform_indices = #map2}]} {
    %mul3A = arith.constant 2 : i32
    %mul3A_0 = arith.muli %arg1, %mul3A : i32
    %add3A = arith.addi %mul3A_0, %arg0 : i32
    %mul3A_1 = arith.constant 128 : i32
    %mul3A_2 = arith.muli %add3A, %mul3A_1 : i32
    %mul3A_3 = arith.constant 20 : i32
    %mul3A_4 = arith.muli %mul3A_2, %mul3A_3 : i32
    "tpu.region"() ({
      %run_scoped3A = tpu.sem_alloc : memref<!tpu.dma_semaphore, #tpu.memory_space<semaphore_mem>>
      %dma_start3A_30 = tpu.memref_slice %arg3[%mul3A_4] : memref<81920xi32, #tpu.memory_space<hbm>> -> memref<2560xi32, #tpu.memory_space<hbm>>
      %dma_start3A_31 = tpu.memref_slice %arg3[%mul3A_4] : memref<81920xi32, #tpu.memory_space<hbm>> -> memref<2560xi32, #tpu.memory_space<hbm>>
      tpu.enqueue_dma source(%dma_start3A_31 : memref<2560xi32, #tpu.memory_space<hbm>>) target(%arg5 : memref<2560xi32, #tpu.memory_space<vmem>>) target_semaphore(%run_scoped3A : memref<!tpu.dma_semaphore, #tpu.memory_space<semaphore_mem>>)
      %dma_wait3A_32 = tpu.memref_slice %arg3[%mul3A_4] : memref<81920xi32, #tpu.memory_space<hbm>> -> memref<2560xi32, #tpu.memory_space<hbm>>
      %dma_wait3A_33 = tpu.memref_slice %arg3[%mul3A_4] : memref<81920xi32, #tpu.memory_space<hbm>> -> memref<2560xi32, #tpu.memory_space<hbm>>
      tpu.wait_dma2 semaphore(%run_scoped3A : memref<!tpu.dma_semaphore, #tpu.memory_space<semaphore_mem>>) src(%dma_wait3A_33 : memref<2560xi32, #tpu.memory_space<hbm>>) dst(%arg5 : memref<2560xi32, #tpu.memory_space<vmem>>)
      tpu.yield
    }) : () -> ()
    %dma_start3A = arith.constant 0 : i32
    %dma_start3A_5 = tpu.memref_slice %arg5[%dma_start3A] : memref<2560xi32, #tpu.memory_space<vmem>> -> memref<40xi32, #tpu.memory_space<vmem>>
    %dma_start3A_6 = arith.constant 0 : i32
    %dma_start3A_7 = arith.constant 0 : i32
    %dma_start3A_8 = tpu.memref_slice %arg2[%dma_start3A_6, %dma_start3A_7] : memref<30720x768xf32, #tpu.memory_space<hbm>> -> memref<30720x768xf32, #tpu.memory_space<hbm>>
    tpu.enqueue_indirect_dma source(%dma_start3A_8 : memref<30720x768xf32, #tpu.memory_space<hbm>>) target(%arg8 : memref<40x768xf32, #tpu.memory_space<vmem>>) offsets(%dma_start3A_5 : memref<40xi32, #tpu.memory_space<vmem>>) semaphore(%arg10 : memref<!tpu.dma_semaphore, #tpu.memory_space<semaphore_mem>>)
    %dma_start3A_9 = arith.constant 40 : i32
    %dma_start3A_10 = tpu.memref_slice %arg5[%dma_start3A_9] : memref<2560xi32, #tpu.memory_space<vmem>> -> memref<40xi32, #tpu.memory_space<vmem>>
    %dma_start3A_11 = arith.constant 0 : i32
    %dma_start3A_12 = arith.constant 0 : i32
    %dma_start3A_13 = tpu.memref_slice %arg2[%dma_start3A_11, %dma_start3A_12] : memref<30720x768xf32, #tpu.memory_space<hbm>> -> memref<30720x768xf32, #tpu.memory_space<hbm>>
    tpu.enqueue_indirect_dma source(%dma_start3A_13 : memref<30720x768xf32, #tpu.memory_space<hbm>>) target(%arg9 : memref<40x768xf32, #tpu.memory_space<vmem>>) offsets(%dma_start3A_10 : memref<40xi32, #tpu.memory_space<vmem>>) semaphore(%arg11 : memref<!tpu.dma_semaphore, #tpu.memory_space<semaphore_mem>>)
    %scan3A = arith.constant 0 : i32
    %scan3A_14 = arith.constant 0 : i32
    %scan3A_15 = arith.constant 32 : i32
    %scan3A_16 = arith.addi %scan3A_14, %scan3A_15 : i32
    %scan3A_17 = arith.constant 1 : i32
    scf.for %scan3A_30 = %scan3A_14 to %scan3A_16 step %scan3A_17  : i32 {
      %mul3A_31 = arith.constant 2 : i32
      %mul3A_32 = arith.muli %scan3A_30, %mul3A_31 : i32
      %add3A_33 = arith.constant 0 : i32
      %add3A_34 = arith.addi %mul3A_32, %add3A_33 : i32
      %mul3A_35 = arith.constant 40 : i32
      %mul3A_36 = arith.muli %add3A_34, %mul3A_35 : i32
      %dma_wait3A_37 = tpu.memref_slice %arg5[%mul3A_36] : memref<2560xi32, #tpu.memory_space<vmem>> -> memref<40xi32, #tpu.memory_space<vmem>>
      %dma_wait3A_38 = arith.constant 0 : i32
      %dma_wait3A_39 = arith.constant 0 : i32
      %dma_wait3A_40 = tpu.memref_slice %arg2[%dma_wait3A_38, %dma_wait3A_39] : memref<30720x768xf32, #tpu.memory_space<hbm>> -> memref<30720x768xf32, #tpu.memory_space<hbm>>
      tpu.wait_indirect_dma semaphore(%arg10 : memref<!tpu.dma_semaphore, #tpu.memory_space<semaphore_mem>>) src(%dma_wait3A_40 : memref<30720x768xf32, #tpu.memory_space<hbm>>) dst(%arg8 : memref<40x768xf32, #tpu.memory_space<vmem>>)
      %gt3A = arith.constant 0 : i32
      %gt3A_41 = arith.cmpi sgt, %add3A_34, %gt3A : i32
      %convert_element_type3A = arith.extui %gt3A_41 : i1 to i32
      %cond3A = arith.constant 0 : i32
      %cond3A_42 = arith.cmpi ne, %convert_element_type3A, %cond3A : i32
      scf.if %cond3A_42 {
        %dma_wait3A_136 = arith.constant 0 : i32
        %dma_wait3A_137 = arith.constant 0 : i32
        %dma_wait3A_138 = tpu.memref_slice %arg4[%mul3A_2, %dma_wait3A_136, %dma_wait3A_137] : memref<4096x20x768xf32, #tpu.memory_space<hbm>> -> memref<1x20x768xf32, #tpu.memory_space<hbm>>
        %dma_wait3A_139 = arith.constant 0 : i32
        %dma_wait3A_140 = arith.constant 0 : i32
        %dma_wait3A_141 = tpu.memref_slice %arg4[%mul3A_2, %dma_wait3A_139, %dma_wait3A_140] : memref<4096x20x768xf32, #tpu.memory_space<hbm>> -> memref<1x20x768xf32, #tpu.memory_space<hbm>>
        tpu.wait_dma2 semaphore(%arg12 : memref<!tpu.dma_semaphore, #tpu.memory_space<semaphore_mem>>) src(%arg6 : memref<1x20x768xf32, #tpu.memory_space<vmem>>) dst(%dma_wait3A_141 : memref<1x20x768xf32, #tpu.memory_space<hbm>>)
      } else {
      }
      %parallel_loop3A = arith.constant 0 : i32
      %parallel_loop3A_43 = arith.constant 48 : i32
      %parallel_loop3A_44 = arith.constant 1 : i32
      scf.for %parallel_loop3A_136 = %parallel_loop3A to %parallel_loop3A_43 step %parallel_loop3A_44  : i32 {
        %parallel_loop3A_137 = arith.constant 0 : i32
        %parallel_loop3A_138 = arith.constant 20 : i32
        %parallel_loop3A_139 = arith.constant 1 : i32
        scf.for %parallel_loop3A_140 = %parallel_loop3A_137 to %parallel_loop3A_138 step %parallel_loop3A_139  : i32 {
          %parallel_loop3A_141 = arith.constant 0 : i32
          %parallel_loop3A_142 = arith.addi %parallel_loop3A_141, %parallel_loop3A_140 : i32
          %parallel_loop3A_143 = arith.constant 16 : i32
          %parallel_loop3A_144 = arith.muli %parallel_loop3A_136, %parallel_loop3A_143 : i32
          %parallel_loop3A_145 = arith.index_cast %parallel_loop3A_142 : i32 to index
          %parallel_loop3A_146 = arith.index_cast %parallel_loop3A_144 : i32 to index
          %parallel_loop3A_147 = tpu.vector_load %arg8[%parallel_loop3A_145, %parallel_loop3A_146] {strides = array<i32>} : memref<40x768xf32, #tpu.memory_space<vmem>>, vector<1x16xf32>,
          %parallel_loop3A_148 = vector.shape_cast %parallel_loop3A_147 : vector<1x16xf32> to vector<16xf32>
          %parallel_loop3A_149 = arith.constant 16 : i32
          %parallel_loop3A_150 = arith.muli %parallel_loop3A_136, %parallel_loop3A_149 : i32
          %parallel_loop3A_151 = arith.constant 0 : i32
          %parallel_loop3A_152 = arith.index_cast %parallel_loop3A_151 : i32 to index
          %parallel_loop3A_153 = arith.index_cast %parallel_loop3A_140 : i32 to index
          %parallel_loop3A_154 = arith.index_cast %parallel_loop3A_150 : i32 to index
          %parallel_loop3A_155 = tpu.vector_load %arg6[%parallel_loop3A_152, %parallel_loop3A_153, %parallel_loop3A_154] {strides = array<i32>} : memref<1x20x768xf32, #tpu.memory_space<vmem>>, vector<1x1x16xf32>,
          %parallel_loop3A_156 = vector.shape_cast %parallel_loop3A_155 : vector<1x1x16xf32> to vector<16xf32>
          %parallel_loop3A_157 = vector.shape_cast %parallel_loop3A_148 : vector<16xf32> to vector<1x1x16xf32>
          tpu.vector_store %arg6[%parallel_loop3A_152, %parallel_loop3A_153, %parallel_loop3A_154], %parallel_loop3A_157 {strides = array<i32>} : memref<1x20x768xf32, #tpu.memory_space<vmem>>, vector<1x1x16xf32>,
        } {sc.loop_unroll_factor = 4 : i64, sc.parallel_access}
      } {sc.loop_unroll_factor = 2 : i64, sc.parallel_access}
      %mul3A_45 = arith.constant 2 : i32
      %mul3A_46 = arith.muli %add3A_34, %mul3A_45 : i32
      %add3A_47 = arith.addi %mul3A_2, %mul3A_46 : i32
      %add3A_48 = arith.constant 0 : i32
      %add3A_49 = arith.addi %add3A_47, %add3A_48 : i32
      %dma_start3A_50 = arith.constant 0 : i32
      %dma_start3A_51 = arith.constant 0 : i32
      %dma_start3A_52 = tpu.memref_slice %arg4[%add3A_49, %dma_start3A_50, %dma_start3A_51] : memref<4096x20x768xf32, #tpu.memory_space<hbm>> -> memref<1x20x768xf32, #tpu.memory_space<hbm>>
      %dma_start3A_53 = arith.constant 0 : i32
      %dma_start3A_54 = arith.constant 0 : i32
      %dma_start3A_55 = tpu.memref_slice %arg4[%add3A_49, %dma_start3A_53, %dma_start3A_54] : memref<4096x20x768xf32, #tpu.memory_space<hbm>> -> memref<1x20x768xf32, #tpu.memory_space<hbm>>
      tpu.enqueue_dma source(%arg6 : memref<1x20x768xf32, #tpu.memory_space<vmem>>) target(%dma_start3A_55 : memref<1x20x768xf32, #tpu.memory_space<hbm>>) target_semaphore(%arg12 : memref<!tpu.dma_semaphore, #tpu.memory_space<semaphore_mem>>)
      %gt3A_56 = arith.constant 0 : i32
      %gt3A_57 = arith.cmpi sgt, %add3A_34, %gt3A_56 : i32
      %convert_element_type3A_58 = arith.extui %gt3A_57 : i1 to i32
      %cond3A_59 = arith.constant 0 : i32
      %cond3A_60 = arith.cmpi ne, %convert_element_type3A_58, %cond3A_59 : i32
      scf.if %cond3A_60 {
        %dma_wait3A_136 = arith.constant 0 : i32
        %dma_wait3A_137 = arith.constant 0 : i32
        %dma_wait3A_138 = tpu.memref_slice %arg4[%mul3A_2, %dma_wait3A_136, %dma_wait3A_137] : memref<4096x20x768xf32, #tpu.memory_space<hbm>> -> memref<1x20x768xf32, #tpu.memory_space<hbm>>
        %dma_wait3A_139 = arith.constant 0 : i32
        %dma_wait3A_140 = arith.constant 0 : i32
        %dma_wait3A_141 = tpu.memref_slice %arg4[%mul3A_2, %dma_wait3A_139, %dma_wait3A_140] : memref<4096x20x768xf32, #tpu.memory_space<hbm>> -> memref<1x20x768xf32, #tpu.memory_space<hbm>>
        tpu.wait_dma2 semaphore(%arg13 : memref<!tpu.dma_semaphore, #tpu.memory_space<semaphore_mem>>) src(%arg7 : memref<1x20x768xf32, #tpu.memory_space<vmem>>) dst(%dma_wait3A_141 : memref<1x20x768xf32, #tpu.memory_space<hbm>>)
      } else {
      }
      %parallel_loop3A_61 = arith.constant 0 : i32
      %parallel_loop3A_62 = arith.constant 48 : i32
      %parallel_loop3A_63 = arith.constant 1 : i32
      scf.for %parallel_loop3A_136 = %parallel_loop3A_61 to %parallel_loop3A_62 step %parallel_loop3A_63  : i32 {
        %parallel_loop3A_137 = arith.constant 0 : i32
        %parallel_loop3A_138 = arith.constant 20 : i32
        %parallel_loop3A_139 = arith.constant 1 : i32
        scf.for %parallel_loop3A_140 = %parallel_loop3A_137 to %parallel_loop3A_138 step %parallel_loop3A_139  : i32 {
          %parallel_loop3A_141 = arith.constant 20 : i32
          %parallel_loop3A_142 = arith.addi %parallel_loop3A_141, %parallel_loop3A_140 : i32
          %parallel_loop3A_143 = arith.constant 16 : i32
          %parallel_loop3A_144 = arith.muli %parallel_loop3A_136, %parallel_loop3A_143 : i32
          %parallel_loop3A_145 = arith.index_cast %parallel_loop3A_142 : i32 to index
          %parallel_loop3A_146 = arith.index_cast %parallel_loop3A_144 : i32 to index
          %parallel_loop3A_147 = tpu.vector_load %arg8[%parallel_loop3A_145, %parallel_loop3A_146] {strides = array<i32>} : memref<40x768xf32, #tpu.memory_space<vmem>>, vector<1x16xf32>,
          %parallel_loop3A_148 = vector.shape_cast %parallel_loop3A_147 : vector<1x16xf32> to vector<16xf32>
          %parallel_loop3A_149 = arith.constant 16 : i32
          %parallel_loop3A_150 = arith.muli %parallel_loop3A_136, %parallel_loop3A_149 : i32
          %parallel_loop3A_151 = arith.constant 0 : i32
          %parallel_loop3A_152 = arith.index_cast %parallel_loop3A_151 : i32 to index
          %parallel_loop3A_153 = arith.index_cast %parallel_loop3A_140 : i32 to index
          %parallel_loop3A_154 = arith.index_cast %parallel_loop3A_150 : i32 to index
          %parallel_loop3A_155 = tpu.vector_load %arg7[%parallel_loop3A_152, %parallel_loop3A_153, %parallel_loop3A_154] {strides = array<i32>} : memref<1x20x768xf32, #tpu.memory_space<vmem>>, vector<1x1x16xf32>,
          %parallel_loop3A_156 = vector.shape_cast %parallel_loop3A_155 : vector<1x1x16xf32> to vector<16xf32>
          %parallel_loop3A_157 = vector.shape_cast %parallel_loop3A_148 : vector<16xf32> to vector<1x1x16xf32>
          tpu.vector_store %arg7[%parallel_loop3A_152, %parallel_loop3A_153, %parallel_loop3A_154], %parallel_loop3A_157 {strides = array<i32>} : memref<1x20x768xf32, #tpu.memory_space<vmem>>, vector<1x1x16xf32>,
        } {sc.loop_unroll_factor = 4 : i64, sc.parallel_access}
      } {sc.loop_unroll_factor = 2 : i64, sc.parallel_access}
      %mul3A_64 = arith.constant 2 : i32
      %mul3A_65 = arith.muli %add3A_34, %mul3A_64 : i32
      %add3A_66 = arith.addi %mul3A_2, %mul3A_65 : i32
      %add3A_67 = arith.constant 1 : i32
      %add3A_68 = arith.addi %add3A_66, %add3A_67 : i32
      %dma_start3A_69 = arith.constant 0 : i32
      %dma_start3A_70 = arith.constant 0 : i32
      %dma_start3A_71 = tpu.memref_slice %arg4[%add3A_68, %dma_start3A_69, %dma_start3A_70] : memref<4096x20x768xf32, #tpu.memory_space<hbm>> -> memref<1x20x768xf32, #tpu.memory_space<hbm>>
      %dma_start3A_72 = arith.constant 0 : i32
      %dma_start3A_73 = arith.constant 0 : i32
      %dma_start3A_74 = tpu.memref_slice %arg4[%add3A_68, %dma_start3A_72, %dma_start3A_73] : memref<4096x20x768xf32, #tpu.memory_space<hbm>> -> memref<1x20x768xf32, #tpu.memory_space<hbm>>
      tpu.enqueue_dma source(%arg7 : memref<1x20x768xf32, #tpu.memory_space<vmem>>) target(%dma_start3A_74 : memref<1x20x768xf32, #tpu.memory_space<hbm>>) target_semaphore(%arg13 : memref<!tpu.dma_semaphore, #tpu.memory_space<semaphore_mem>>)
      %add3A_75 = arith.constant 2 : i32
      %add3A_76 = arith.addi %add3A_34, %add3A_75 : i32
      %lt3A = arith.constant 64 : i32
      %lt3A_77 = arith.cmpi slt, %add3A_76, %lt3A : i32
      %convert_element_type3A_78 = arith.extui %lt3A_77 : i1 to i32
      %cond3A_79 = arith.constant 0 : i32
      %cond3A_80 = arith.cmpi ne, %convert_element_type3A_78, %cond3A_79 : i32
      scf.if %cond3A_80 {
        %add3A_136 = arith.constant 2 : i32
        %add3A_137 = arith.addi %add3A_34, %add3A_136 : i32
        %mul3A_138 = arith.constant 40 : i32
        %mul3A_139 = arith.muli %add3A_137, %mul3A_138 : i32
        %dma_start3A_140 = tpu.memref_slice %arg5[%mul3A_139] : memref<2560xi32, #tpu.memory_space<vmem>> -> memref<40xi32, #tpu.memory_space<vmem>>
        %dma_start3A_141 = arith.constant 0 : i32
        %dma_start3A_142 = arith.constant 0 : i32
        %dma_start3A_143 = tpu.memref_slice %arg2[%dma_start3A_141, %dma_start3A_142] : memref<30720x768xf32, #tpu.memory_space<hbm>> -> memref<30720x768xf32, #tpu.memory_space<hbm>>
        tpu.enqueue_indirect_dma source(%dma_start3A_143 : memref<30720x768xf32, #tpu.memory_space<hbm>>) target(%arg8 : memref<40x768xf32, #tpu.memory_space<vmem>>) offsets(%dma_start3A_140 : memref<40xi32, #tpu.memory_space<vmem>>) semaphore(%arg10 : memref<!tpu.dma_semaphore, #tpu.memory_space<semaphore_mem>>)
      } else {
      }
      %mul3A_81 = arith.constant 2 : i32
      %mul3A_82 = arith.muli %scan3A_30, %mul3A_81 : i32
      %add3A_83 = arith.constant 1 : i32
      %add3A_84 = arith.addi %mul3A_82, %add3A_83 : i32
      %mul3A_85 = arith.constant 40 : i32
      %mul3A_86 = arith.muli %add3A_84, %mul3A_85 : i32
      %dma_wait3A_87 = tpu.memref_slice %arg5[%mul3A_86] : memref<2560xi32, #tpu.memory_space<vmem>> -> memref<40xi32, #tpu.memory_space<vmem>>
      %dma_wait3A_88 = arith.constant 0 : i32
      %dma_wait3A_89 = arith.constant 0 : i32
      %dma_wait3A_90 = tpu.memref_slice %arg2[%dma_wait3A_88, %dma_wait3A_89] : memref<30720x768xf32, #tpu.memory_space<hbm>> -> memref<30720x768xf32, #tpu.memory_space<hbm>>
      tpu.wait_indirect_dma semaphore(%arg11 : memref<!tpu.dma_semaphore, #tpu.memory_space<semaphore_mem>>) src(%dma_wait3A_90 : memref<30720x768xf32, #tpu.memory_space<hbm>>) dst(%arg9 : memref<40x768xf32, #tpu.memory_space<vmem>>)
      %gt3A_91 = arith.constant 0 : i32
      %gt3A_92 = arith.cmpi sgt, %add3A_84, %gt3A_91 : i32
      %convert_element_type3A_93 = arith.extui %gt3A_92 : i1 to i32
      %cond3A_94 = arith.constant 0 : i32
      %cond3A_95 = arith.cmpi ne, %convert_element_type3A_93, %cond3A_94 : i32
      scf.if %cond3A_95 {
        %dma_wait3A_136 = arith.constant 0 : i32
        %dma_wait3A_137 = arith.constant 0 : i32
        %dma_wait3A_138 = tpu.memref_slice %arg4[%mul3A_2, %dma_wait3A_136, %dma_wait3A_137] : memref<4096x20x768xf32, #tpu.memory_space<hbm>> -> memref<1x20x768xf32, #tpu.memory_space<hbm>>
        %dma_wait3A_139 = arith.constant 0 : i32
        %dma_wait3A_140 = arith.constant 0 : i32
        %dma_wait3A_141 = tpu.memref_slice %arg4[%mul3A_2, %dma_wait3A_139, %dma_wait3A_140] : memref<4096x20x768xf32, #tpu.memory_space<hbm>> -> memref<1x20x768xf32, #tpu.memory_space<hbm>>
        tpu.wait_dma2 semaphore(%arg12 : memref<!tpu.dma_semaphore, #tpu.memory_space<semaphore_mem>>) src(%arg6 : memref<1x20x768xf32, #tpu.memory_space<vmem>>) dst(%dma_wait3A_141 : memref<1x20x768xf32, #tpu.memory_space<hbm>>)
      } else {
      }
      %parallel_loop3A_96 = arith.constant 0 : i32
      %parallel_loop3A_97 = arith.constant 48 : i32
      %parallel_loop3A_98 = arith.constant 1 : i32
      scf.for %parallel_loop3A_136 = %parallel_loop3A_96 to %parallel_loop3A_97 step %parallel_loop3A_98  : i32 {
        %parallel_loop3A_137 = arith.constant 0 : i32
        %parallel_loop3A_138 = arith.constant 20 : i32
        %parallel_loop3A_139 = arith.constant 1 : i32
        scf.for %parallel_loop3A_140 = %parallel_loop3A_137 to %parallel_loop3A_138 step %parallel_loop3A_139  : i32 {
          %parallel_loop3A_141 = arith.constant 0 : i32
          %parallel_loop3A_142 = arith.addi %parallel_loop3A_141, %parallel_loop3A_140 : i32
          %parallel_loop3A_143 = arith.constant 16 : i32
          %parallel_loop3A_144 = arith.muli %parallel_loop3A_136, %parallel_loop3A_143 : i32
          %parallel_loop3A_145 = arith.index_cast %parallel_loop3A_142 : i32 to index
          %parallel_loop3A_146 = arith.index_cast %parallel_loop3A_144 : i32 to index
          %parallel_loop3A_147 = tpu.vector_load %arg9[%parallel_loop3A_145, %parallel_loop3A_146] {strides = array<i32>} : memref<40x768xf32, #tpu.memory_space<vmem>>, vector<1x16xf32>,
          %parallel_loop3A_148 = vector.shape_cast %parallel_loop3A_147 : vector<1x16xf32> to vector<16xf32>
          %parallel_loop3A_149 = arith.constant 16 : i32
          %parallel_loop3A_150 = arith.muli %parallel_loop3A_136, %parallel_loop3A_149 : i32
          %parallel_loop3A_151 = arith.constant 0 : i32
          %parallel_loop3A_152 = arith.index_cast %parallel_loop3A_151 : i32 to index
          %parallel_loop3A_153 = arith.index_cast %parallel_loop3A_140 : i32 to index
          %parallel_loop3A_154 = arith.index_cast %parallel_loop3A_150 : i32 to index
          %parallel_loop3A_155 = tpu.vector_load %arg6[%parallel_loop3A_152, %parallel_loop3A_153, %parallel_loop3A_154] {strides = array<i32>} : memref<1x20x768xf32, #tpu.memory_space<vmem>>, vector<1x1x16xf32>,
          %parallel_loop3A_156 = vector.shape_cast %parallel_loop3A_155 : vector<1x1x16xf32> to vector<16xf32>
          %parallel_loop3A_157 = vector.shape_cast %parallel_loop3A_148 : vector<16xf32> to vector<1x1x16xf32>
          tpu.vector_store %arg6[%parallel_loop3A_152, %parallel_loop3A_153, %parallel_loop3A_154], %parallel_loop3A_157 {strides = array<i32>} : memref<1x20x768xf32, #tpu.memory_space<vmem>>, vector<1x1x16xf32>,
        } {sc.loop_unroll_factor = 4 : i64, sc.parallel_access}
      } {sc.loop_unroll_factor = 2 : i64, sc.parallel_access}
      %mul3A_99 = arith.constant 2 : i32
      %mul3A_100 = arith.muli %add3A_84, %mul3A_99 : i32
      %add3A_101 = arith.addi %mul3A_2, %mul3A_100 : i32
      %add3A_102 = arith.constant 0 : i32
      %add3A_103 = arith.addi %add3A_101, %add3A_102 : i32
      %dma_start3A_104 = arith.constant 0 : i32
      %dma_start3A_105 = arith.constant 0 : i32
      %dma_start3A_106 = tpu.memref_slice %arg4[%add3A_103, %dma_start3A_104, %dma_start3A_105] : memref<4096x20x768xf32, #tpu.memory_space<hbm>> -> memref<1x20x768xf32, #tpu.memory_space<hbm>>
      %dma_start3A_107 = arith.constant 0 : i32
      %dma_start3A_108 = arith.constant 0 : i32
      %dma_start3A_109 = tpu.memref_slice %arg4[%add3A_103, %dma_start3A_107, %dma_start3A_108] : memref<4096x20x768xf32, #tpu.memory_space<hbm>> -> memref<1x20x768xf32, #tpu.memory_space<hbm>>
      tpu.enqueue_dma source(%arg6 : memref<1x20x768xf32, #tpu.memory_space<vmem>>) target(%dma_start3A_109 : memref<1x20x768xf32, #tpu.memory_space<hbm>>) target_semaphore(%arg12 : memref<!tpu.dma_semaphore, #tpu.memory_space<semaphore_mem>>)
      %gt3A_110 = arith.constant 0 : i32
      %gt3A_111 = arith.cmpi sgt, %add3A_84, %gt3A_110 : i32
      %convert_element_type3A_112 = arith.extui %gt3A_111 : i1 to i32
      %cond3A_113 = arith.constant 0 : i32
      %cond3A_114 = arith.cmpi ne, %convert_element_type3A_112, %cond3A_113 : i32
      scf.if %cond3A_114 {
        %dma_wait3A_136 = arith.constant 0 : i32
        %dma_wait3A_137 = arith.constant 0 : i32
        %dma_wait3A_138 = tpu.memref_slice %arg4[%mul3A_2, %dma_wait3A_136, %dma_wait3A_137] : memref<4096x20x768xf32, #tpu.memory_space<hbm>> -> memref<1x20x768xf32, #tpu.memory_space<hbm>>
        %dma_wait3A_139 = arith.constant 0 : i32
        %dma_wait3A_140 = arith.constant 0 : i32
        %dma_wait3A_141 = tpu.memref_slice %arg4[%mul3A_2, %dma_wait3A_139, %dma_wait3A_140] : memref<4096x20x768xf32, #tpu.memory_space<hbm>> -> memref<1x20x768xf32, #tpu.memory_space<hbm>>
        tpu.wait_dma2 semaphore(%arg13 : memref<!tpu.dma_semaphore, #tpu.memory_space<semaphore_mem>>) src(%arg7 : memref<1x20x768xf32, #tpu.memory_space<vmem>>) dst(%dma_wait3A_141 : memref<1x20x768xf32, #tpu.memory_space<hbm>>)
      } else {
      }
      %parallel_loop3A_115 = arith.constant 0 : i32
      %parallel_loop3A_116 = arith.constant 48 : i32
      %parallel_loop3A_117 = arith.constant 1 : i32
      scf.for %parallel_loop3A_136 = %parallel_loop3A_115 to %parallel_loop3A_116 step %parallel_loop3A_117  : i32 {
        %parallel_loop3A_137 = arith.constant 0 : i32
        %parallel_loop3A_138 = arith.constant 20 : i32
        %parallel_loop3A_139 = arith.constant 1 : i32
        scf.for %parallel_loop3A_140 = %parallel_loop3A_137 to %parallel_loop3A_138 step %parallel_loop3A_139  : i32 {
          %parallel_loop3A_141 = arith.constant 20 : i32
          %parallel_loop3A_142 = arith.addi %parallel_loop3A_141, %parallel_loop3A_140 : i32
          %parallel_loop3A_143 = arith.constant 16 : i32
          %parallel_loop3A_144 = arith.muli %parallel_loop3A_136, %parallel_loop3A_143 : i32
          %parallel_loop3A_145 = arith.index_cast %parallel_loop3A_142 : i32 to index
          %parallel_loop3A_146 = arith.index_cast %parallel_loop3A_144 : i32 to index
          %parallel_loop3A_147 = tpu.vector_load %arg9[%parallel_loop3A_145, %parallel_loop3A_146] {strides = array<i32>} : memref<40x768xf32, #tpu.memory_space<vmem>>, vector<1x16xf32>,
          %parallel_loop3A_148 = vector.shape_cast %parallel_loop3A_147 : vector<1x16xf32> to vector<16xf32>
          %parallel_loop3A_149 = arith.constant 16 : i32
          %parallel_loop3A_150 = arith.muli %parallel_loop3A_136, %parallel_loop3A_149 : i32
          %parallel_loop3A_151 = arith.constant 0 : i32
          %parallel_loop3A_152 = arith.index_cast %parallel_loop3A_151 : i32 to index
          %parallel_loop3A_153 = arith.index_cast %parallel_loop3A_140 : i32 to index
          %parallel_loop3A_154 = arith.index_cast %parallel_loop3A_150 : i32 to index
          %parallel_loop3A_155 = tpu.vector_load %arg7[%parallel_loop3A_152, %parallel_loop3A_153, %parallel_loop3A_154] {strides = array<i32>} : memref<1x20x768xf32, #tpu.memory_space<vmem>>, vector<1x1x16xf32>,
          %parallel_loop3A_156 = vector.shape_cast %parallel_loop3A_155 : vector<1x1x16xf32> to vector<16xf32>
          %parallel_loop3A_157 = vector.shape_cast %parallel_loop3A_148 : vector<16xf32> to vector<1x1x16xf32>
          tpu.vector_store %arg7[%parallel_loop3A_152, %parallel_loop3A_153, %parallel_loop3A_154], %parallel_loop3A_157 {strides = array<i32>} : memref<1x20x768xf32, #tpu.memory_space<vmem>>, vector<1x1x16xf32>,
        } {sc.loop_unroll_factor = 4 : i64, sc.parallel_access}
      } {sc.loop_unroll_factor = 2 : i64, sc.parallel_access}
      %mul3A_118 = arith.constant 2 : i32
      %mul3A_119 = arith.muli %add3A_84, %mul3A_118 : i32
      %add3A_120 = arith.addi %mul3A_2, %mul3A_119 : i32
      %add3A_121 = arith.constant 1 : i32
      %add3A_122 = arith.addi %add3A_120, %add3A_121 : i32
      %dma_start3A_123 = arith.constant 0 : i32
      %dma_start3A_124 = arith.constant 0 : i32
      %dma_start3A_125 = tpu.memref_slice %arg4[%add3A_122, %dma_start3A_123, %dma_start3A_124] : memref<4096x20x768xf32, #tpu.memory_space<hbm>> -> memref<1x20x768xf32, #tpu.memory_space<hbm>>
      %dma_start3A_126 = arith.constant 0 : i32
      %dma_start3A_127 = arith.constant 0 : i32
      %dma_start3A_128 = tpu.memref_slice %arg4[%add3A_122, %dma_start3A_126, %dma_start3A_127] : memref<4096x20x768xf32, #tpu.memory_space<hbm>> -> memref<1x20x768xf32, #tpu.memory_space<hbm>>
      tpu.enqueue_dma source(%arg7 : memref<1x20x768xf32, #tpu.memory_space<vmem>>) target(%dma_start3A_128 : memref<1x20x768xf32, #tpu.memory_space<hbm>>) target_semaphore(%arg13 : memref<!tpu.dma_semaphore, #tpu.memory_space<semaphore_mem>>)
      %add3A_129 = arith.constant 2 : i32
      %add3A_130 = arith.addi %add3A_84, %add3A_129 : i32
      %lt3A_131 = arith.constant 64 : i32
      %lt3A_132 = arith.cmpi slt, %add3A_130, %lt3A_131 : i32
      %convert_element_type3A_133 = arith.extui %lt3A_132 : i1 to i32
      %cond3A_134 = arith.constant 0 : i32
      %cond3A_135 = arith.cmpi ne, %convert_element_type3A_133, %cond3A_134 : i32
      scf.if %cond3A_135 {
        %add3A_136 = arith.constant 2 : i32
        %add3A_137 = arith.addi %add3A_84, %add3A_136 : i32
        %mul3A_138 = arith.constant 40 : i32
        %mul3A_139 = arith.muli %add3A_137, %mul3A_138 : i32
        %dma_start3A_140 = tpu.memref_slice %arg5[%mul3A_139] : memref<2560xi32, #tpu.memory_space<vmem>> -> memref<40xi32, #tpu.memory_space<vmem>>
        %dma_start3A_141 = arith.constant 0 : i32
        %dma_start3A_142 = arith.constant 0 : i32
        %dma_start3A_143 = tpu.memref_slice %arg2[%dma_start3A_141, %dma_start3A_142] : memref<30720x768xf32, #tpu.memory_space<hbm>> -> memref<30720x768xf32, #tpu.memory_space<hbm>>
        tpu.enqueue_indirect_dma source(%dma_start3A_143 : memref<30720x768xf32, #tpu.memory_space<hbm>>) target(%arg9 : memref<40x768xf32, #tpu.memory_space<vmem>>) offsets(%dma_start3A_140 : memref<40xi32, #tpu.memory_space<vmem>>) semaphore(%arg11 : memref<!tpu.dma_semaphore, #tpu.memory_space<semaphore_mem>>)
      } else {
      }
    }
    %scan3A_18 = arith.constant 32 : i32
    %dma_wait3A = arith.constant 0 : i32
    %dma_wait3A_19 = arith.constant 0 : i32
    %dma_wait3A_20 = tpu.memref_slice %arg4[%mul3A_2, %dma_wait3A, %dma_wait3A_19] : memref<4096x20x768xf32, #tpu.memory_space<hbm>> -> memref<1x20x768xf32, #tpu.memory_space<hbm>>
    %dma_wait3A_21 = arith.constant 0 : i32
    %dma_wait3A_22 = arith.constant 0 : i32
    %dma_wait3A_23 = tpu.memref_slice %arg4[%mul3A_2, %dma_wait3A_21, %dma_wait3A_22] : memref<4096x20x768xf32, #tpu.memory_space<hbm>> -> memref<1x20x768xf32, #tpu.memory_space<hbm>>
    tpu.wait_dma2 semaphore(%arg12 : memref<!tpu.dma_semaphore, #tpu.memory_space<semaphore_mem>>) src(%arg6 : memref<1x20x768xf32, #tpu.memory_space<vmem>>) dst(%dma_wait3A_23 : memref<1x20x768xf32, #tpu.memory_space<hbm>>)
    %dma_wait3A_24 = arith.constant 0 : i32
    %dma_wait3A_25 = arith.constant 0 : i32
    %dma_wait3A_26 = tpu.memref_slice %arg4[%mul3A_2, %dma_wait3A_24, %dma_wait3A_25] : memref<4096x20x768xf32, #tpu.memory_space<hbm>> -> memref<1x20x768xf32, #tpu.memory_space<hbm>>
    %dma_wait3A_27 = arith.constant 0 : i32
    %dma_wait3A_28 = arith.constant 0 : i32
    %dma_wait3A_29 = tpu.memref_slice %arg4[%mul3A_2, %dma_wait3A_27, %dma_wait3A_28] : memref<4096x20x768xf32, #tpu.memory_space<hbm>> -> memref<1x20x768xf32, #tpu.memory_space<hbm>>
    tpu.wait_dma2 semaphore(%arg13 : memref<!tpu.dma_semaphore, #tpu.memory_space<semaphore_mem>>) src(%arg7 : memref<1x20x768xf32, #tpu.memory_space<vmem>>) dst(%dma_wait3A_29 : memref<1x20x768xf32, #tpu.memory_space<hbm>>)
    return
  }
}

module attributes {stable_mosaic.version = 14 : i64} {
  func.func @_stats_body(%arg0: i32, %arg1: memref<1024x768xf32, #tpu.memory_space<vmem>>, %arg2: memref<1x768xf32, #tpu.memory_space<vmem>>, %arg3: memref<1x768xf32, #tpu.memory_space<vmem>>) attributes {dimension_semantics = [#tpu.dimension_semantics<arbitrary>], iteration_bounds = array<i64: 29>, scalar_prefetch = 0 : i64, scratch_operands = 0 : i64, tpu.core_type = #tpu.core_type<tc>, window_params = [{transform_indices = @transform_0, window_bounds = array<i64: 1024, 768>}, {pipeline_mode = #tpu.pipeline_mode<synchronous>, transform_indices = @transform_1, window_bounds = array<i64: 1, 768>}, {pipeline_mode = #tpu.pipeline_mode<synchronous>, transform_indices = @transform_2, window_bounds = array<i64: 1, 768>}]} {
    %get3A = arith.constant 0 : index
    %get3A_0 = arith.constant 0 : index
    %get3A_1 = vector.load %arg1[%get3A, %get3A_0] : memref<1024x768xf32, #tpu.memory_space<vmem>>, vector<1024x768xf32>
    %iota3A = tpu.iota {dimensions = array<i32: 0>} : vector<1024x768xi32>
    %mul3A = arith.constant 1024 : i32
    %mul3A_2 = arith.muli %arg0, %mul3A : i32
    %add3A = vector.broadcast %mul3A_2 : i32 to vector<1024x768xi32>
    %add3A_3 = arith.addi %iota3A, %add3A : vector<1024x768xi32>
    %lt3A = arith.constant 28996 : i32
    %lt3A_4 = vector.broadcast %lt3A : i32 to vector<1024x768xi32>
    %lt3A_5 = arith.cmpi slt, %add3A_3, %lt3A_4 : vector<1024x768xi32>
    %jit3A = arith.constant 0.000000e+00 : f32
    %broadcast_in_dim3A = vector.broadcast %jit3A : f32 to vector<1024x768xf32>
    %select_n3A = arith.select %lt3A_5, %get3A_1, %broadcast_in_dim3A : vector<1024x768xi1>, vector<1024x768xf32>
    %reduce_sum3A = arith.constant dense<0.000000e+00> : vector<768xf32>
    %reduce_sum3A_6 = vector.multi_reduction <add>, %select_n3A, %reduce_sum3A [0] : vector<1024x768xf32> to vector<768xf32>
    %broadcast_in_dim3A_7 = vector.shape_cast %reduce_sum3A_6 : vector<768xf32> to vector<1x768xf32>
    %mul3A_8 = arith.mulf %select_n3A, %select_n3A : vector<1024x768xf32>
    %reduce_sum3A_9 = arith.constant dense<0.000000e+00> : vector<768xf32>
    %reduce_sum3A_10 = vector.multi_reduction <add>, %mul3A_8, %reduce_sum3A_9 [0] : vector<1024x768xf32> to vector<768xf32>
    %broadcast_in_dim3A_11 = vector.shape_cast %reduce_sum3A_10 : vector<768xf32> to vector<1x768xf32>
    %eq3A = arith.constant 0 : i32
    %eq3A_12 = arith.cmpi eq, %arg0, %eq3A : i32
    %convert_element_type3A = arith.extui %eq3A_12 : i1 to i32
    %cond3A = arith.constant 0 : i32
    %cond3A_13 = arith.cmpi ne, %convert_element_type3A, %cond3A : i32
    scf.if %cond3A_13 {
      %swap3A = arith.constant 0 : index
      %swap3A_18 = arith.constant 0 : index
      %swap3A_19 = vector.load %arg2[%swap3A, %swap3A_18] : memref<1x768xf32, #tpu.memory_space<vmem>>, vector<1x768xf32>
      tpu.vector_store %arg2[%swap3A, %swap3A_18], %broadcast_in_dim3A_7 {strides = array<i32>} : memref<1x768xf32, #tpu.memory_space<vmem>>, vector<1x768xf32>,
      %swap3A_20 = arith.constant 0 : index
      %swap3A_21 = arith.constant 0 : index
      %swap3A_22 = vector.load %arg3[%swap3A_20, %swap3A_21] : memref<1x768xf32, #tpu.memory_space<vmem>>, vector<1x768xf32>
      tpu.vector_store %arg3[%swap3A_20, %swap3A_21], %broadcast_in_dim3A_11 {strides = array<i32>} : memref<1x768xf32, #tpu.memory_space<vmem>>, vector<1x768xf32>,
    } else {
    }
    %gt3A = arith.constant 0 : i32
    %gt3A_14 = arith.cmpi sgt, %arg0, %gt3A : i32
    %convert_element_type3A_15 = arith.extui %gt3A_14 : i1 to i32
    %cond3A_16 = arith.constant 0 : i32
    %cond3A_17 = arith.cmpi ne, %convert_element_type3A_15, %cond3A_16 : i32
    scf.if %cond3A_17 {
      %get3A_18 = arith.constant 0 : index
      %get3A_19 = arith.constant 0 : index
      %get3A_20 = vector.load %arg2[%get3A_18, %get3A_19] : memref<1x768xf32, #tpu.memory_space<vmem>>, vector<1x768xf32>
      %add3A_21 = arith.addf %get3A_20, %broadcast_in_dim3A_7 : vector<1x768xf32>
      %swap3A = arith.constant 0 : index
      %swap3A_22 = arith.constant 0 : index
      %swap3A_23 = vector.load %arg2[%swap3A, %swap3A_22] : memref<1x768xf32, #tpu.memory_space<vmem>>, vector<1x768xf32>
      tpu.vector_store %arg2[%swap3A, %swap3A_22], %add3A_21 {strides = array<i32>} : memref<1x768xf32, #tpu.memory_space<vmem>>, vector<1x768xf32>,
      %get3A_24 = arith.constant 0 : index
      %get3A_25 = arith.constant 0 : index
      %get3A_26 = vector.load %arg3[%get3A_24, %get3A_25] : memref<1x768xf32, #tpu.memory_space<vmem>>, vector<1x768xf32>
      %add3A_27 = arith.addf %get3A_26, %broadcast_in_dim3A_11 : vector<1x768xf32>
      %swap3A_28 = arith.constant 0 : index
      %swap3A_29 = arith.constant 0 : index
      %swap3A_30 = vector.load %arg3[%swap3A_28, %swap3A_29] : memref<1x768xf32, #tpu.memory_space<vmem>>, vector<1x768xf32>
      tpu.vector_store %arg3[%swap3A_28, %swap3A_29], %add3A_27 {strides = array<i32>} : memref<1x768xf32, #tpu.memory_space<vmem>>, vector<1x768xf32>,
    } else {
    }
    return
  }
  func.func @transform_0(%arg0: i32) -> (i32, i32) {
    %c0_i32 = arith.constant 0 : i32
    %c0_i32_0 = arith.constant 0 : i32
    return %arg0, %c0_i32 : i32, i32
  }
  func.func @transform_1(%arg0: i32) -> (i32, i32) {
    %c0_i32 = arith.constant 0 : i32
    %c0_i32_0 = arith.constant 0 : i32
    %c0_i32_1 = arith.constant 0 : i32
    return %c0_i32, %c0_i32_0 : i32, i32
  }
  func.func @transform_2(%arg0: i32) -> (i32, i32) {
    %c0_i32 = arith.constant 0 : i32
    %c0_i32_0 = arith.constant 0 : i32
    %c0_i32_1 = arith.constant 0 : i32
    return %c0_i32, %c0_i32_0 : i32, i32
  }
}

</mosaic_0001>

<sc_bundles>
// kernel: kernel.5.cloned.1.call-start
scs
__scs_entry_jumppad:
0x0: {  	(pc) =	sbr.rel $0x88, $3  }
0x1: {  	(tag) =	ssettag $0x0;
	lr =	simm.s32 $0x1  }
0x2: {  	[smem:$0x3F9F] =	sst lr;
	_ =	strace $0xD0000000  }
0x3: {  	_ = 	snop  }
0x4: {  	_ = 	snop  }
0x5: {  	_ = 	snop  }
0x6: {  	_ = 	snop  }
0x7: {  	_ = 	snop  }
__scs_overlays_trampoline_lowered:
0x8: {  	[smem:$0x3FAE] =	sst s0  }
0x9: {  	[smem:$0x3FAF] =	sst s1  }
0xa: {  	[smem:$0x3FB0] =	sst s2  }
0xb: {  	[smem:$0x3FB1] =	sst s3  }
0xc: {  	[smem:$0x3FB2] =	sst s4  }
0xd: {  	[smem:$0x3FB3] =	sst s5  }
0xe: {  	[smem:$0x3FB4] =	sst s6  }
0xf: {  	[smem:$0x3FB5] =	sst s7  }
0x10: {  	[smem:$0x3FB6] =	sst s8  }
0x11: {  	[smem:$0x3FB7] =	sst s9;
	s0 =	simm.s32 @!p0 $0x0  }
0x12: {  	s1 =	sld [smem:$0x3F9D];
	s0 =	simm.s32 @p0 $0x1  }
0x13: {  	[smem:$0x3FB8] =	sst s0;
	s0 =	simm.s32 @!p1 $0x0  }
0x14: {  	s2 =	sld [smem:$0x3F9C];
	s0 =	simm.s32 @p1 $0x1  }
0x15: {  	[smem:$0x3FB9] =	sst s0;
	s0 =	simm.s32 @!p2 $0x0  }
0x16: {  	s3 =	sld [smem:$0x3FDB];
	s0 =	simm.s32 @p2 $0x1  }
0x17: {  	s4 =	simm.s32 $0x1BF5;
	[smem:$0x3FBB] =	sst s0  }
0x18: {  	s0 =	sld [smem:$0x3F9E];
	_ =	swait.ge [sflag:s4], $0x0  }
0x19: {  	s7 =	sld [smem:$0x3F9F]  }
0x1a: {  	s8 =	sadd.s32 $0xFFFFE003, lr  }
0x1b: {  	s9 =	sadd.s32 $0xFFFFFEF7, lr;
	s5 =	simm.s32 $0xFFFFFFFF;
	p2 =	slt.u32 s8, $0xFFFFF086  }
0x1c: {  	p1 =	slt.u32 s9, $0xF7A;
	s5 =	simm.s32 @!p2 $0x0  }
0x1d: {  	s5 =	simm.s32 @p1 $0x1;
	p0 =	seq.s32 s7, s2  }
0x1e: {  	s7 =	smul.u32 @!p0 $0xF7A, s2;
	p2 =	seq.s32 @!p0 s5, $0x0  }
0x1f: {  	s9 =	smul.u32 $0xF7A, s1;
	s8 =	simm.s32 @!p0 $0x1BF5;
	p2 =	por !p2, p0  }
0x20: {  	[sflag:s8] =	ssyncset.s32 @!p0 $0xFFFFF086;
	s6 =	sadd.s32 @!p0 s3, s7;
	s7 =	simm.s32 @!p0 $0x108  }
0x21: {  	s3 =	sadd.s32 s3, s9;
	s6 =	sadd.s32 @!p0 $0x88, s6;
	s7 =	simm.s32 @p2 $0x1082  }
0x22: {  	[simem:s7], [sflag:s8] =	dma.local @!p0 [hbm:s6], $0xF7A  }
0x23: {  	s9 =	sor.u32 $0xD0000000, s2;
	s6 =	simm.s32 $0x108;
	_ =	swait.ge @!p0 [sflag:s8], $0x0  }
0x24: {  	s3 =	sadd.s32 $0x88, s3;
	s6 =	simm.s32 @!p1 $0x1082;
	[sflag:s4] =	ssyncset.s32 $0xFFFFF086  }
0x25: {  	[simem:s6], [sflag:s4] =	dma.local [hbm:s3], $0xF7A  }
0x26: {  	[smem:$0x3F9F] =	sst s1;
	(tag) =	ssettag s2;
	_ =	strace s9  }
0x27: {  	s1 =	sld [smem:$0x3FAF]  }
0x28: {  	s2 =	sld [smem:$0x3FB0]  }
0x29: {  	s4 =	sld [smem:$0x3FB2]  }
0x2a: {  	p0 =	seq.s32 s5, $0x0;
	s5 =	sld [smem:$0x3FB3]  }
0x2b: {  	s6 =	sld [smem:$0x3FB4]  }
0x2c: {  	s7 =	sld [smem:$0x3FB5]  }
0x2d: {  	s3 =	simm.s32 $0x108;
	s8 =	sld [smem:$0x3FB6]  }
0x2e: {  	s3 =	simm.s32 @!p0 $0x1082;
	s9 =	sld [smem:$0x3FB7]  }
0x2f: {  	lr =	sadd.s32 s0, s3;
	s0 =	sld [smem:$0x3FAE]  }
0x30: {  	s3 =	sld [smem:$0x3FB1]  }
0x31: {  	[smem:$0x3FBA] =	sst s10  }
0x32: {  	s10 =	sld [smem:$0x3FB8];
	_ =	sdelay $0x3  }
0x33: {  	p0 =	seq.s32 s10, $0x1;
	s10 =	sld [smem:$0x3FBA];
	_ =	sdelay $0x3  }
0x34: {  	[smem:$0x3FBA] =	sst s10  }
0x35: {  	s10 =	sld [smem:$0x3FB9];
	_ =	sdelay $0x3  }
0x36: {  	p1 =	seq.s32 s10, $0x1;
	s10 =	sld [smem:$0x3FBA];
	_ =	sdelay $0x3  }
0x37: {  	[smem:$0x3FBA] =	sst s10  }
0x38: {  	s10 =	sld [smem:$0x3FBB]  }
0x39: {  	_ = 	snop;
	(pc) =	sbr.ind lr, $3  }
0x3a: {  	_ = 	snop  }
0x3b: {  	_ = 	snop  }
0x3c: {  	p2 =	seq.s32 s10, $0x1;
	s10 =	sld [smem:$0x3FBA]  }
0x3d: {  	_ =	shalt  }
0x3e: {  	_ =	shalt  }
0x3f: {  	_ =	shalt  }
0x40: {  	_ =	shalt  }
0x41: {  	_ =	shalt  }
0x42: {  	_ =	shalt  }
0x43: {  	_ =	shalt  }
0x44: {  	_ =	shalt  }
0x45: {  	_ =	shalt  }
0x46: {  	_ =	shalt  }
0x47: {  	_ =	shalt  }
0x48: {  	_ =	shalt  }
0x49: {  	_ =	shalt  }
0x4a: {  	_ =	shalt  }
0x4b: {  	_ =	shalt  }
0x4c: {  	_ =	shalt  }
0x4d: {  	_ =	shalt  }
0x4e: {  	_ =	shalt  }
0x4f: {  	_ =	shalt  }
0x50: {  	_ =	shalt  }
0x51: {  	_ =	shalt  }
0x52: {  	_ =	shalt  }
0x53: {  	_ =	shalt  }
0x54: {  	_ =	shalt  }
0x55: {  	_ =	shalt  }
0x56: {  	_ =	shalt  }
0x57: {  	_ =	shalt  }
0x58: {  	_ =	shalt  }
0x59: {  	_ =	shalt  }
0x5a: {  	_ =	shalt  }
0x5b: {  	_ =	shalt  }
0x5c: {  	_ =	shalt  }
0x5d: {  	_ =	shalt  }
0x5e: {  	_ =	shalt  }
0x5f: {  	_ =	shalt  }
0x60: {  	_ =	shalt  }
0x61: {  	_ =	shalt  }
0x62: {  	_ =	shalt  }
0x63: {  	_ =	shalt  }
0x64: {  	_ =	shalt  }
0x65: {  	_ =	shalt  }
0x66: {  	_ =	shalt  }
0x67: {  	_ =	shalt  }
0x68: {  	_ =	shalt  }
0x69: {  	_ =	shalt  }
0x6a: {  	_ =	shalt  }
0x6b: {  	_ =	shalt  }
0x6c: {  	_ =	shalt  }
0x6d: {  	_ =	shalt  }
0x6e: {  	_ =	shalt  }
0x6f: {  	_ =	shalt  }
0x70: {  	_ =	shalt  }
0x71: {  	_ =	shalt  }
0x72: {  	_ =	shalt  }
0x73: {  	_ =	shalt  }
0x74: {  	_ =	shalt  }
0x75: {  	_ =	shalt  }
0x76: {  	_ =	shalt  }
0x77: {  	_ =	shalt  }
0x78: {  	_ =	shalt  }
0x79: {  	_ =	shalt  }
0x7a: {  	_ =	shalt  }
0x7b: {  	_ =	shalt  }
0x7c: {  	_ =	shalt  }
0x7d: {  	_ =	shalt  }
0x7e: {  	_ =	shalt  }
0x7f: {  	_ =	shalt  }
0x80: {  	_ =	shalt  }
0x81: {  	_ =	shalt  }
0x82: {  	_ =	shalt  }
0x83: {  	_ =	shalt  }
0x84: {  	_ =	shalt  }
0x85: {  	_ =	shalt  }
0x86: {  	_ =	shalt  }
0x87: {  	_ =	shalt  }
.Lfunc_end0:
.L_simem_size_0:
called_computation_lowered:
.L_overlay_start_0:
0x88: {  	s2 =	sld [smem:$0x3FD9]  }
0x89: {  	s3 =	sld [smem:$0x3FFE];
	_ =	sdelay $0x1  }
0x8a: {  	s1 =	srdreg.scid  }
0x8b: {  	s0 =	sand.u32 $0x1, s1  }
0x8c: {  	s17 =	sshll.u32 s0, $0xA;
	s2 =	sadd.s32 s3, s2  }
0x8d: {  	s2 =	sadd.s32 s2, s17  }
0x8e: {  	[smem:$0x3FC6] =	sst s2  }
0x8f: {  	_ = 	snop  }
0x90: {  	s2 =	sld [smem:$0x3FC8]  }
0x91: {  	s18 =	sld [smem:$0x3FD0];
	(tm) =	ssettm $0x1  }
0x92: {  	s4 =	sld [smem:$0x3FFB];
	_ =	sdelay $0x3  }
0x93: {  	_ =	strace s4  }
0x94: {  	s4 =	sld [smem:$0x3FFC];
	_ =	sdelay $0x3  }
0x95: {  	_ =	strace s4  }
0x96: {  	s4 =	sld [smem:$0x3FFD];
	_ =	sdelay $0x3  }
0x97: {  	_ =	strace s4  }
0x98: {  	_ =	strace $0x8FFFFFFF  }
0x99: {  	s19 =	sld [smem:$0x3FDB];
	_ =	sdelay $0x1  }
0x9a: {  	s5 =	simm.s32 $_scs_section_size  }
0x9b: {  	s6 =	simm.s32 $_size__tile_overlayer_lowered;
	s7 =	simm.s32 $_tile_overlayer_lowered  }
0x9c: {  	s22 =	simm.s32 $0x1BFF;
	s21 =	sshll.u32 s7, $0x1;
	s4 =	sadd.s32 s5, s19  }
0x9d: {  	s8 =	simm.s32 $0x0;
	s20 =	sshll.u32 s6, $0x1;
	s6 =	sadd.s32 s21, s4  }
0x9e: {  	[timem:s8], [sflag:s22] =	dma.local [hbm:s6], s20  }
0x9f: {  	_ =	swait.ge [sflag:s22], s20  }
0xa0: {  	s5 =	ssub.s32 $0x0, s20;
	[sflag:s22] =	ssyncset.done $0x0  }
0xa1: {  	[sflag:s22] =	ssyncadd.s32 s5;
	_ =	sdelay $0x1  }
0xa2: {  	s23 =	simm.s32 $0x1B8B  }
0xa3: {  	_ =	swait.ge [sflag:s23], $0x1  }
0xa4: {  	[sflag:s23] =	ssyncset.done $0x0  }
0xa5: {  	s25 =	simm.s32 $0x1B8E;
	s24 =	sld [smem:$0x3FFE];
	[sflag:s23] =	ssyncadd.s32 $0xFFFFFFFF  }
0xa6: {  	s26 =	simm.s32 $execute0_lowered;
	[smem:$0x3FD2] =	sst s25  }
0xa7: {  	s6 =	sshll.u32 s26, $0x1;
	_ =	strace $0x80000046;
	[dreg:$0x1] =	wrdreg $0xFFFFFFFF  }
0xa8: {  	s28 =	simm.s32 $_size_execute0_lowered;
	s4 =	sadd.s32 s4, s6;
	[dreg:$0x0] =	wrdreg $0x0  }
0xa9: {  	s6 =	sshll.u32 s28, $0x1;
	[dreg:$0x2] =	wrdreg s4  }
0xaa: {  	[dreg:$0x3] =	wrdreg s6  }
0xab: {  	[dreg:$0x4] =	wrdreg $0xC0  }
0xac: {  	_ =	task [dreg:s8], $0x5FFFF  }
0xad: {  	[dreg:$0x1] =	wrdreg $0xFFFFFFFF  }
0xae: {  	[dreg:$0x0] =	wrdreg $0x60  }
0xaf: {  	[dreg:$0x2] =	wrdreg s2  }
0xb0: {  	[dreg:$0x3] =	wrdreg s24  }
0xb1: {  	[dreg:$0x4] =	wrdreg s18  }
0xb2: {  	[dreg:$0x5] =	wrdreg $0x9  }
0xb3: {  	_ =	task.clear_ibuf [dreg:s8], $0x6FFFF;
	_ =	strace $0x90000046  }
0xb4: {  	s29 =	simm.s32 $0x9;
	_ =	strace $0x80000048  }
0xb5: {  	_ =	swait.ge [sflag:s29], $0x1  }
0xb6: {  	[sflag:s29] =	ssyncadd.s32 $0xFFFFFFFF  }
0xb7: {  	_ =	strace $0x90000048  }
0xb8: {  	_ =	sfence  }
0xb9: {  	s30 =	sld [smem:$0x0];
	_ =	sdelay $0x2  }
0xba: {  	s31 =	sshll.u32 s1, $0xD;
	s1 =	sshrl.u32 s1, $0x2  }
0xbb: {  	s3 =	sand.u32 $0x4000, s31;
	s1 =	sadd.s32 s1, s30  }
0xbc: {  	s0 =	sor.u32 s3, s0;
	s1 =	sshll.u32 s1, $0x11  }
0xbd: {  	s0 =	sor.u32 s1, s0  }
0xbe: {  	s0 =	sadd.s32 $0x8F2B, s0  }
0xbf: {  	[sflag:s0] =	ssyncadd.remote.s32 $0x1  }
0xc0: {  	_ =	sfence.sel $0xFFFF  }
0xc1: {  	[dreg:$0x0] =	wrdreg $0xFFFFFFFF;
	(pc) =	sbr.abs _section_cstart, $3  }
0xc2: {  	[dreg:$0x1] =	wrdreg $0xFFFFFFFF  }
0xc3: {  	_ =	task.clear_ibuf [dreg:s8], $0x2FFFF;
	_ =	strace $0x9FFFFFFF  }
0xc4: {  	(tm) =	ssettm $0x7FFFFFFF  }
0xc5: {  	_ =	shalt  }
tec
execute0_lowered:
.L_overlay_start_1:
0x0: {  	(tag) =	ssettag $0x1  }
0x1: {  	s1 =	rddreg [dreg:$0x0]  }
0x2: {  	s0 =	srdreg.scid;
	s3 =	stileid.u32  }
0x3: {  	s2 =	rddreg [dreg:$0x1];
	s16 =	simm.s32 $0xA00;
	s20 =	simm.s32 $0xE200  }
0x4: {  	s21 =	simm.s32 $0xEA00;
	s22 =	simm.s32 $0xF200;
	s23 =	simm.s32 $0x1  }
0x5: {  	s24 =	simm.s32 $0x2;
	s25 =	simm.s32 $0x3;
	s26 =	simm.s32 $0x4  }
0x6: {  	s0 =	sand.u32 $0x1, s0;
	s4 =	sshll.u32 s3, $0x1;
	s3 =	rddreg [dreg:$0x2]  }
0x7: {  	s7 =	sadd.s32 $0x1600, s2;
	s9 =	sadd.s32 $0x100, s1;
	s10 =	sadd.s32 $0x200, s1  }
0x8: {  	s5 =	sor.u32 s0, s4;
	s4 =	simm.s32 $0x0;
	s0 =	ssub.s32 $0x2, s0  }
0x9: {  	s5 =	smul.u32 $0x3C0, s5;
	[smem:$0x7FF] =	sst s4;
	s30 =	sshrl.u32 s0, $0x1  }
.Ltmp0:
0xa: {  	_ =	strace $0x80000047;
	s0 =	ssub.s32 s0, s30;
	(pc) =	sbr.rel .LBB2_1-.Ltmp0, $4  }
0xb: {  	[dreg:$0x4] =	wrdreg s7;
	s6 =	sshrl.u32 s5, $0x3;
	s0 =	smax.u32 s0, $0x1  }
0xc: {  	v2 =	vlaneseq.u32;
	s6 =	sadd.s32 s6, s2;
	s2 =	sadd.s32 $0x1400, s2;
	[dreg:$0x7] =	wrdreg s0  }
0xd: {  	vm0 =	vmmov $0xffff;
	v1 =	vshrl.u32 v2, $0x3;
	s11 =	sor.u32 $0x28, s5;
	[dreg:$0x5] =	wrdreg s2;
	s31 =	sadd.s32 $0x400, s6  }
0xe: {  	v0 =	vand.u32 $0x7, v2;
	v2 =	vor.u32 $0x8, v2;
	v1 =	vmul.u32 $0x8, v1;
	s2 =	simm.s32 $0x8200;
	s6 =	simm.s32 $0x0;
	[dreg:$0x6] =	wrdreg s31  }
.LBB2_18:
0xf: {  	_ =	swait.ge [sflag:s25], $0x7800  }
0x10: {  	[sflag:s25] =	ssyncset.done $0x0  }
0x11: {  	[sflag:s25] =	ssyncadd.s32 $0xFFFF8800  }
0x12: {  	_ =	swait.ge [sflag:s26], $0x7800  }
0x13: {  	s6 =	rddreg [dreg:$0x8]  }
0x14: {  	s0 =	rddreg [dreg:$0x7];
	s6 =	sadd.s32 $0x1, s6  }
0x15: {  	p0 =	sne.s32 s6, s0  }
.Ltmp1:
0x16: {  	_ = 	snop;
	(pc) =	sbr.rel @!p0 .LBB2_19-.Ltmp1, $3  }
0x17: {  	_ =	sdelay $0x1  }
0x18: {  	[sflag:s26] =	ssyncset.done $0x0  }
0x19: {  	[sflag:s26] =	ssyncadd.s32 $0xFFFF8800  }
.LBB2_1:
0x1a: {  	[dreg:$0x8] =	wrdreg s6  }
0x1b: {  	s0 =	rddreg [dreg:$0x6];
	s19 =	simm.s32 $0x5  }
0x1c: {  	[tilespmem:s4], [sflag:$0x5] =	stream.linear.gather [hbm4b:s0+s4], $0x3C0, $0x38;
	[tilespmem:$0xFA00] =	vst v63  }
0x1d: {  	_ =	swait.ge [sflag:s19], $0x3C0  }
0x1e: {  	[sflag:s19] =	ssyncset.done $0x0  }
0x1f: {  	s7 =	simm.s32 $0x400;
	s29 =	rddreg [dreg:$0x4];
	[sflag:s19] =	ssyncadd.s32 $0xFFFFFC40  }
0x20: {  	[tilespmem:s7], [sflag:$0x5] =	stream.linear.gather [hbm4b:s29+s4], $0x300, $0x38;
	[tilespmem:$0xFA00] =	vst v63  }
0x21: {  	_ =	swait.ge [sflag:s19], $0x300  }
0x22: {  	[sflag:s19] =	ssyncset.done $0x0  }
0x23: {  	s31 =	simm.s32 $0x700;
	s30 =	rddreg [dreg:$0x5];
	[sflag:s19] =	ssyncadd.s32 $0xFFFFFD00  }
0x24: {  	[tilespmem:s31], [sflag:$0x5] =	stream.linear.gather [hbm4b:s30+s4], $0x300, $0x38;
	[tilespmem:$0xFA00] =	vst v63  }
0x25: {  	_ =	swait.ge [sflag:s19], $0x300  }
0x26: {  	[sflag:s19] =	ssyncset.done $0x0  }
0x27: {  	[sflag:s19] =	ssyncadd.s32 $0xFFFFFD00  }
0x28: {  	v3 =	vld [tilespmem:$0x0];
	_ =	sdelay $0x4  }
0x29: {  	v4 =	vshrl.u32 v3, $0x3  }
0x2a: {  	v4 =	vmul.u32 $0x30, v4  }
0x2b: {  	v3 =	vand.u32 $0x7, v3  }
0x2c: {  	v3 =	vor.u32 v3, v4  }
0x2d: {  	v4 =	vperm.xlane v3, v0;
	_ =	sdelay $0x1  }
0x2e: {  	v4 =	vadd.s32 v1, v4;
	_ =	sdelay $0x3  }
0x2f: {  	v3 =	vperm.xlane v3, v2  }
0x30: {  	[tilespmem:s16], [sflag:$0x1] =	stream.indirect_vreg.gather [hbm4b:s1+s4], $0x80, v4, vm0, $0xb8;
	[tilespmem:$0xFA00] =	vst v63  }
0x31: {  	s7 =	simm.s32 $0x1200;
	v3 =	vadd.s32 v1, v3  }
0x32: {  	[tilespmem:s7], [sflag:$0x1] =	stream.indirect_vreg.gather [hbm4b:s9+s4], $0x80, v4, vm0, $0xb8;
	[tilespmem:$0xFA00] =	vst v63  }
0x33: {  	s8 =	simm.s32 $0x1A00  }
0x34: {  	[tilespmem:s8], [sflag:$0x1] =	stream.indirect_vreg.gather [hbm4b:s10+s4], $0x80, v4, vm0, $0xb8;
	[tilespmem:$0xFA00] =	vst v63  }
0x35: {  	s12 =	simm.s32 $0x2200  }
0x36: {  	[tilespmem:s12], [sflag:$0x1] =	stream.indirect_vreg.gather [hbm4b:s1+s4], $0x80, v3, vm0, $0xb8;
	[tilespmem:$0xFA00] =	vst v63  }
0x37: {  	s13 =	simm.s32 $0x2A00  }
0x38: {  	[tilespmem:s13], [sflag:$0x1] =	stream.indirect_vreg.gather [hbm4b:s9+s4], $0x80, v3, vm0, $0xb8;
	[tilespmem:$0xFA00] =	vst v63  }
0x39: {  	s14 =	simm.s32 $0x3200  }
0x3a: {  	[tilespmem:s14], [sflag:$0x1] =	stream.indirect_vreg.gather [hbm4b:s10+s4], $0x80, v3, vm0, $0xb8;
	[tilespmem:$0xFA00] =	vst v63  }
0x3b: {  	v3 =	vld [tilespmem:$0x10];
	_ =	sdelay $0x4  }
0x3c: {  	v59 =	vshrl.u32 v3, $0x3  }
0x3d: {  	v4 =	vmul.u32 $0x30, v59  }
0x3e: {  	v3 =	vand.u32 $0x7, v3  }
0x3f: {  	v3 =	vor.u32 v3, v4  }
0x40: {  	v4 =	vperm.xlane v3, v0;
	_ =	sdelay $0x1  }
0x41: {  	v4 =	vadd.s32 v1, v4;
	_ =	sdelay $0x3  }
0x42: {  	s15 =	simm.s32 $0x3A00;
	v3 =	vperm.xlane v3, v2  }
0x43: {  	[tilespmem:s15], [sflag:$0x1] =	stream.indirect_vreg.gather [hbm4b:s1+s4], $0x80, v4, vm0, $0xb8;
	[tilespmem:$0xFA00] =	vst v63  }
0x44: {  	s17 =	simm.s32 $0x4200;
	v3 =	vadd.s32 v1, v3  }
0x45: {  	[tilespmem:s17], [sflag:$0x1] =	stream.indirect_vreg.gather [hbm4b:s9+s4], $0x80, v4, vm0, $0xb8;
	[tilespmem:$0xFA00] =	vst v63  }
0x46: {  	s18 =	simm.s32 $0x4A00  }
0x47: {  	[tilespmem:s18], [sflag:$0x1] =	stream.indirect_vreg.gather [hbm4b:s10+s4], $0x80, v4, vm0, $0xb8;
	[tilespmem:$0xFA00] =	vst v63  }
0x48: {  	s19 =	simm.s32 $0x5200  }
0x49: {  	[tilespmem:s19], [sflag:$0x1] =	stream.indirect_vreg.gather [hbm4b:s1+s4], $0x80, v3, vm0, $0xb8;
	[tilespmem:$0xFA00] =	vst v63  }
0x4a: {  	s29 =	simm.s32 $0x5A00  }
0x4b: {  	[tilespmem:s29], [sflag:$0x1] =	stream.indirect_vreg.gather [hbm4b:s9+s4], $0x80, v3, vm0, $0xb8;
	[tilespmem:$0xFA00] =	vst v63  }
0x4c: {  	s30 =	simm.s32 $0x6200  }
0x4d: {  	[tilespmem:s30], [sflag:$0x1] =	stream.indirect_vreg.gather [hbm4b:s10+s4], $0x80, v3, vm0, $0xb8;
	[tilespmem:$0xFA00] =	vst v63  }
0x4e: {  	v3 =	vld.msk [tilespmem:$0x20], $0xff;
	_ =	sdelay $0x4  }
0x4f: {  	v60 =	vshrl.u32 v3, $0x3  }
0x50: {  	v4 =	vmul.u32 $0x30, v60  }
0x51: {  	v3 =	vand.u32 $0x7, v3  }
0x52: {  	v3 =	vor.u32 v3, v4  }
0x53: {  	v3 =	vperm.xlane v3, v0;
	_ =	sdelay $0x1  }
0x54: {  	v3 =	vadd.s32 v1, v3;
	_ =	sdelay $0x3  }
0x55: {  	s31 =	simm.s32 $0x6A00  }
0x56: {  	[tilespmem:s31], [sflag:$0x1] =	stream.indirect_vreg.gather [hbm4b:s1+s4], $0x80, v3, vm0, $0xb8;
	[tilespmem:$0xFA00] =	vst v63  }
0x57: {  	s6 =	simm.s32 $0x7200  }
0x58: {  	[tilespmem:s6], [sflag:$0x1] =	stream.indirect_vreg.gather [hbm4b:s9+s4], $0x80, v3, vm0, $0xb8;
	[tilespmem:$0xFA00] =	vst v63  }
0x59: {  	s7 =	simm.s32 $0x7A00  }
0x5a: {  	[tilespmem:s7], [sflag:$0x1] =	stream.indirect_vreg.gather [hbm4b:s10+s4], $0x80, v3, vm0, $0xb8;
	[tilespmem:$0xFA00] =	vst v63  }
0x5b: {  	v3 =	vld [tilespmem:$0x28];
	_ =	sdelay $0x4  }
0x5c: {  	v61 =	vshrl.u32 v3, $0x3  }
0x5d: {  	v4 =	vmul.u32 $0x30, v61  }
0x5e: {  	v3 =	vand.u32 $0x7, v3  }
0x5f: {  	v3 =	vor.u32 v3, v4  }
0x60: {  	v4 =	vperm.xlane v3, v0;
	_ =	sdelay $0x1  }
0x61: {  	v4 =	vadd.s32 v1, v4;
	_ =	sdelay $0x3  }
0x62: {  	v3 =	vperm.xlane v3, v2  }
0x63: {  	[tilespmem:s2], [sflag:$0x2] =	stream.indirect_vreg.gather [hbm4b:s1+s4], $0x80, v4, vm0, $0xb8;
	[tilespmem:$0xFA00] =	vst v63  }
0x64: {  	s8 =	simm.s32 $0x8A00;
	v3 =	vadd.s32 v1, v3  }
0x65: {  	[tilespmem:s8], [sflag:$0x2] =	stream.indirect_vreg.gather [hbm4b:s9+s4], $0x80, v4, vm0, $0xb8;
	[tilespmem:$0xFA00] =	vst v63  }
0x66: {  	s12 =	simm.s32 $0x9200  }
0x67: {  	[tilespmem:s12], [sflag:$0x2] =	stream.indirect_vreg.gather [hbm4b:s10+s4], $0x80, v4, vm0, $0xb8;
	[tilespmem:$0xFA00] =	vst v63  }
0x68: {  	s13 =	simm.s32 $0x9A00  }
0x69: {  	[tilespmem:s13], [sflag:$0x2] =	stream.indirect_vreg.gather [hbm4b:s1+s4], $0x80, v3, vm0, $0xb8;
	[tilespmem:$0xFA00] =	vst v63  }
0x6a: {  	s14 =	simm.s32 $0xA200  }
0x6b: {  	[tilespmem:s14], [sflag:$0x2] =	stream.indirect_vreg.gather [hbm4b:s9+s4], $0x80, v3, vm0, $0xb8;
	[tilespmem:$0xFA00] =	vst v63  }
0x6c: {  	s15 =	simm.s32 $0xAA00  }
0x6d: {  	[tilespmem:s15], [sflag:$0x2] =	stream.indirect_vreg.gather [hbm4b:s10+s4], $0x80, v3, vm0, $0xb8;
	[tilespmem:$0xFA00] =	vst v63  }
0x6e: {  	v3 =	vld [tilespmem:$0x38];
	_ =	sdelay $0x4  }
0x6f: {  	v62 =	vshrl.u32 v3, $0x3  }
0x70: {  	v4 =	vmul.u32 $0x30, v62  }
0x71: {  	v3 =	vand.u32 $0x7, v3  }
0x72: {  	v3 =	vor.u32 v3, v4  }
0x73: {  	v4 =	vperm.xlane v3, v0;
	_ =	sdelay $0x1  }
0x74: {  	v4 =	vadd.s32 v1, v4;
	_ =	sdelay $0x3  }
0x75: {  	s17 =	simm.s32 $0xB200;
	v3 =	vperm.xlane v3, v2  }
0x76: {  	[tilespmem:s17], [sflag:$0x2] =	stream.indirect_vreg.gather [hbm4b:s1+s4], $0x80, v4, vm0, $0xb8;
	[tilespmem:$0xFA00] =	vst v63  }
0x77: {  	s18 =	simm.s32 $0xBA00;
	v3 =	vadd.s32 v1, v3  }
0x78: {  	[tilespmem:s18], [sflag:$0x2] =	stream.indirect_vreg.gather [hbm4b:s9+s4], $0x80, v4, vm0, $0xb8;
	[tilespmem:$0xFA00] =	vst v63  }
0x79: {  	s19 =	simm.s32 $0xC200  }
0x7a: {  	[tilespmem:s19], [sflag:$0x2] =	stream.indirect_vreg.gather [hbm4b:s10+s4], $0x80, v4, vm0, $0xb8;
	[tilespmem:$0xFA00] =	vst v63  }
0x7b: {  	s29 =	simm.s32 $0xCA00  }
0x7c: {  	[tilespmem:s29], [sflag:$0x2] =	stream.indirect_vreg.gather [hbm4b:s1+s4], $0x80, v3, vm0, $0xb8;
	[tilespmem:$0xFA00] =	vst v63  }
0x7d: {  	s30 =	simm.s32 $0xD200  }
0x7e: {  	[tilespmem:s30], [sflag:$0x2] =	stream.indirect_vreg.gather [hbm4b:s9+s4], $0x80, v3, vm0, $0xb8;
	[tilespmem:$0xFA00] =	vst v63  }
0x7f: {  	s31 =	simm.s32 $0xDA00  }
0x80: {  	[tilespmem:s31], [sflag:$0x2] =	stream.indirect_vreg.gather [hbm4b:s10+s4], $0x80, v3, vm0, $0xb8;
	[tilespmem:$0xFA00] =	vst v63  }
0x81: {  	v3 =	vld.msk [tilespmem:$0x48], $0xff;
	_ =	sdelay $0x4  }
0x82: {  	v63 =	vshrl.u32 v3, $0x3  }
0x83: {  	v4 =	vmul.u32 $0x30, v63  }
0x84: {  	v3 =	vand.u32 $0x7, v3  }
0x85: {  	v3 =	vor.u32 v3, v4  }
0x86: {  	v3 =	vperm.xlane v3, v0;
	_ =	sdelay $0x1  }
0x87: {  	v3 =	vadd.s32 v1, v3;
	_ =	sdelay $0x4  }
0x88: {  	[tilespmem:s20], [sflag:$0x2] =	stream.indirect_vreg.gather [hbm4b:s1+s4], $0x80, v3, vm0, $0xb8;
	[tilespmem:$0xFA00] =	vst v63  }
0x89: {  	_ = 	snop  }
0x8a: {  	[tilespmem:s21], [sflag:$0x2] =	stream.indirect_vreg.gather [hbm4b:s9+s4], $0x80, v3, vm0, $0xb8;
	[tilespmem:$0xFA00] =	vst v63  }
0x8b: {  	s28 =	simm.s32 $0x0  }
0x8c: {  	[tilespmem:s22], [sflag:$0x2] =	stream.indirect_vreg.gather [hbm4b:s10+s4], $0x80, v3, vm0, $0xb8;
	[tilespmem:$0xFA00] =	vst v63  }
.LBB2_2:
0x8d: {  	_ =	swait.ge [sflag:s23], $0x7800  }
0x8e: {  	[sflag:s23] =	ssyncset.done $0x0  }
0x8f: {  	s29 =	simm.s32 $0x0;
	s30 =	simm.s32 $0x0;
	[sflag:s23] =	ssyncadd.s32 $0xFFFF8800  }
.LBB2_3:
0x90: {  	s14 =	sshll.u32 s30, $0x4  }
0x91: {  	s0 =	simm.s32 $0x0;
	s6 =	sand.u32 $0x60, s14  }
0x92: {  	s7 =	sshll.u32 s30, $0x7;
	s0 =	smul.u32 $0x6000, s0;
	v4 =	vmov s6  }
0x93: {  	s7 =	sand.u32 $0x1C00, s7  }
0x94: {  	s31 =	sadd.s32 $0xA00, s7;
	s0 =	sshra.s32 s0, $0x2  }
0x95: {  	s15 =	sand.u32 $0x200, s29;
	v7 =	vld [tilespmem:s14+$0x400];
	s0 =	sadd.s32 s0, s31  }
0x96: {  	s8 =	simm.s32 $0x0;
	v5 =	vld [tilespmem:s14+$0x700];
	s15 =	sadd.s32 s15, s0  }
0x97: {  	s17 =	smul.u32 $0x6000, s8;
	v3 =	vld.idx.msk [tilespmem:v4+s15+$0x180 ss:$0x1], $0xffff  }
0x98: {  	v6 =	vld.idx.msk [tilespmem:v4+s15+$0x100 ss:$0x1], $0xffff  }
0x99: {  	s18 =	simm.s32 $0x200;
	s0 =	sshra.s32 s17, $0x2;
	v8 =	vld.idx.msk [tilespmem:v4+s15+$0x80 ss:$0x1], $0xffff  }
0x9a: {  	s7 =	sand.u32 $0x200, s18;
	s0 =	sadd.s32 s0, s31;
	v13 =	vld.idx.msk [tilespmem:v4+s15+$0x0 ss:$0x1], $0xffff  }
0x9b: {  	s19 =	simm.s32 $0x1;
	s0 =	sadd.s32 s7, s0  }
0x9c: {  	s8 =	smul.u32 $0x6000, s19;
	v10 =	vld.idx.msk [tilespmem:v4+s0+$0x180 ss:$0x1], $0xffff  }
0x9d: {  	s12 =	simm.s32 $0x400;
	v9 =	vld.idx.msk [tilespmem:v4+s0+$0x100 ss:$0x1], $0xffff;
	v3 =	vsub.f32 v3, v7;
	v14 =	vsub.f32 v6, v7  }
0x9e: {  	s12 =	sand.u32 $0x200, s12;
	s8 =	sshra.s32 s8, $0x2;
	v6 =	vld.idx.msk [tilespmem:v4+s0+$0x80 ss:$0x1], $0xffff;
	v11 =	vsub.f32 v8, v7  }
0x9f: {  	s13 =	sadd.s32 s8, s31;
	s8 =	simm.s32 $0x600;
	s7 =	simm.s32 $0x8;
	v8 =	vld.idx.msk [tilespmem:v4+s0+$0x0 ss:$0x1], $0xffff;
	v13 =	vsub.f32 v13, v7;
	v12 =	vmul.f32 v3, v5;
	v14 =	vmul.f32 v14, v5  }
.LBB2_4:
0xa0: {  	s7 =	sadd.s32 $0x4, s7  }
0xa1: {  	s17 =	sand.u32 $0x200, s8;
	v3 =	vmul.f32 v11, v5;
	[tilespmem:v4+s15+$0x180 ss:$0x1] =	vst.idx.msk $0xffff, v12;
	p0 =	slt.u32 s7, $0x24  }
.Ltmp2:
0xa2: {  	s13 =	sadd.s32 s12, s13;
	s18 =	sshrl.u32 s7, $0x3;
	v11 =	vmul.f32 v13, v5;
	[tilespmem:v4+s15+$0x100 ss:$0x1] =	vst.idx.msk $0xffff, v14;
	(pc) =	sbr.rel @p0 .LBB2_4-.Ltmp2, $4  }
0xa3: {  	v12 =	vsub.f32 v10, v7;
	s12 =	smov.u32 s17;
	s18 =	smul.u32 $0x6000, s18;
	v10 =	vld.idx.msk [tilespmem:v4+s13+$0x180 ss:$0x1], $0xffff;
	[tilespmem:v4+s15+$0x80 ss:$0x1] =	vst.idx.msk $0xffff, v3  }
0xa4: {  	v3 =	vsub.f32 v9, v7;
	v9 =	vld.idx.msk [tilespmem:v4+s13+$0x100 ss:$0x1], $0xffff;
	[tilespmem:v4+s15+$0x0 ss:$0x1] =	vst.idx.msk $0xffff, v11;
	s15 =	smov.u32 s0;
	s0 =	smov.u32 s13  }
0xa5: {  	v11 =	vsub.f32 v6, v7;
	v12 =	vmul.f32 v12, v5;
	s13 =	sshra.s32 s18, $0x2;
	v6 =	vld.idx.msk [tilespmem:v4+s0+$0x80 ss:$0x1], $0xffff  }
0xa6: {  	s8 =	sadd.s32 $0x200, s8;
	v13 =	vsub.f32 v8, v7;
	v14 =	vmul.f32 v3, v5;
	s13 =	sadd.s32 s13, s31;
	v8 =	vld.idx.msk [tilespmem:v4+s0+$0x0 ss:$0x1], $0xffff  }
0xa7: {  	_ =	sdelay $0x2  }
0xa8: {  	s7 =	sadd.s32 s12, s13  }
0xa9: {  	s6 =	sor.u32 $0x10, s6;
	s8 =	simm.s32 $0x0;
	v15 =	vld.idx.msk [tilespmem:v4+s7+$0x180 ss:$0x1], $0xffff  }
0xaa: {  	v16 =	vld.idx.msk [tilespmem:v4+s7+$0x100 ss:$0x1], $0xffff;
	v3 =	vmov s6;
	s8 =	smul.u32 $0x6000, s8  }
0xab: {  	v11 =	vmul.f32 v11, v5;
	[tilespmem:v4+s15+$0x180 ss:$0x1] =	vst.idx.msk $0xffff, v12;
	s17 =	sand.u32 $0x380, s14;
	v10 =	vsub.f32 v10, v7;
	v12 =	vld.idx.msk [tilespmem:v4+s7+$0x80 ss:$0x1], $0xffff  }
0xac: {  	s18 =	simm.s32 $0x0;
	v13 =	vmul.f32 v13, v5;
	[tilespmem:v4+s15+$0x100 ss:$0x1] =	vst.idx.msk $0xffff, v14;
	v14 =	vld.idx.msk [tilespmem:v4+s7+$0x0 ss:$0x1], $0xffff;
	s6 =	sor.u32 s17, s6;
	v9 =	vsub.f32 v9, v7;
	s8 =	sshra.s32 s8, $0x2  }
0xad: {  	s12 =	sand.u32 $0x200, s18;
	[tilespmem:v4+s15+$0x80 ss:$0x1] =	vst.idx.msk $0xffff, v11;
	v11 =	vsub.f32 v6, v7;
	v10 =	vmul.f32 v10, v5;
	v6 =	vld [tilespmem:s6+$0x400];
	s8 =	sadd.s32 s8, s31  }
0xae: {  	s19 =	simm.s32 $0x0;
	[tilespmem:v4+s15+$0x0 ss:$0x1] =	vst.idx.msk $0xffff, v13;
	v13 =	vsub.f32 v8, v7;
	v9 =	vmul.f32 v9, v5;
	v8 =	vld [tilespmem:s6+$0x700];
	s14 =	sadd.s32 s12, s8  }
0xaf: {  	s6 =	smul.u32 $0x6000, s19;
	v11 =	vmul.f32 v11, v5;
	[tilespmem:v4+s0+$0x180 ss:$0x1] =	vst.idx.msk $0xffff, v10;
	v10 =	vsub.f32 v15, v7;
	v15 =	vld.idx.msk [tilespmem:v3+s14+$0x180 ss:$0x1], $0xffff  }
0xb0: {  	v13 =	vmul.f32 v13, v5;
	[tilespmem:v4+s0+$0x100 ss:$0x1] =	vst.idx.msk $0xffff, v9;
	v9 =	vsub.f32 v16, v7;
	v63 =	vld.idx.msk [tilespmem:v3+s14+$0x100 ss:$0x1], $0xffff  }
0xb1: {  	s13 =	simm.s32 $0x200;
	s6 =	sshra.s32 s6, $0x2;
	[tilespmem:v4+s0+$0x80 ss:$0x1] =	vst.idx.msk $0xffff, v11;
	v11 =	vsub.f32 v12, v7;
	v12 =	vld.idx.msk [tilespmem:v3+s14+$0x80 ss:$0x1], $0xffff;
	v10 =	vmul.f32 v10, v5  }
0xb2: {  	s15 =	sand.u32 $0x200, s13;
	v7 =	vsub.f32 v14, v7;
	s6 =	sadd.s32 s6, s31;
	[tilespmem:v4+s0+$0x0 ss:$0x1] =	vst.idx.msk $0xffff, v13;
	v9 =	vmul.f32 v9, v5;
	v13 =	vld.idx.msk [tilespmem:v3+s14+$0x0 ss:$0x1], $0xffff  }
0xb3: {  	s17 =	simm.s32 $0x1;
	s0 =	sadd.s32 s15, s6;
	[tilespmem:v4+s7+$0x180 ss:$0x1] =	vst.idx.msk $0xffff, v10;
	v10 =	vmul.f32 v11, v5  }
0xb4: {  	s8 =	smul.u32 $0x6000, s17;
	v11 =	vmul.f32 v7, v5;
	[tilespmem:v4+s7+$0x100 ss:$0x1] =	vst.idx.msk $0xffff, v9;
	v7 =	vld.idx.msk [tilespmem:v3+s0+$0x180 ss:$0x1], $0xffff  }
0xb5: {  	s18 =	simm.s32 $0x400;
	v5 =	vld.idx.msk [tilespmem:v3+s0+$0x100 ss:$0x1], $0xffff;
	v9 =	vsub.f32 v15, v6;
	v14 =	vsub.f32 v63, v6;
	[tilespmem:v4+s7+$0x80 ss:$0x1] =	vst.idx.msk $0xffff, v10  }
0xb6: {  	s19 =	sshra.s32 s8, $0x2;
	s8 =	sand.u32 $0x200, s18;
	[tilespmem:v4+s7+$0x0 ss:$0x1] =	vst.idx.msk $0xffff, v11;
	v4 =	vld.idx.msk [tilespmem:v3+s0+$0x80 ss:$0x1], $0xffff;
	v10 =	vsub.f32 v12, v6  }
0xb7: {  	s6 =	simm.s32 $0x8;
	s12 =	sadd.s32 s19, s31;
	s7 =	simm.s32 $0x600;
	v11 =	vmul.f32 v9, v8;
	v9 =	vld.idx.msk [tilespmem:v3+s0+$0x0 ss:$0x1], $0xffff;
	v12 =	vsub.f32 v13, v6;
	v13 =	vmul.f32 v14, v8  }
.LBB2_6:
0xb8: {  	s6 =	sadd.s32 $0x4, s6  }
0xb9: {  	s13 =	sand.u32 $0x200, s7;
	v10 =	vmul.f32 v10, v8;
	[tilespmem:v3+s14+$0x180 ss:$0x1] =	vst.idx.msk $0xffff, v11;
	p0 =	slt.u32 s6, $0x24  }
.Ltmp3:
0xba: {  	s12 =	sadd.s32 s8, s12;
	s15 =	sshrl.u32 s6, $0x3;
	v11 =	vmul.f32 v12, v8;
	[tilespmem:v3+s14+$0x100 ss:$0x1] =	vst.idx.msk $0xffff, v13;
	(pc) =	sbr.rel @p0 .LBB2_6-.Ltmp3, $4  }
0xbb: {  	v12 =	vsub.f32 v7, v6;
	s8 =	smov.u32 s13;
	s15 =	smul.u32 $0x6000, s15;
	v7 =	vld.idx.msk [tilespmem:v3+s12+$0x180 ss:$0x1], $0xffff;
	[tilespmem:v3+s14+$0x80 ss:$0x1] =	vst.idx.msk $0xffff, v10  }
0xbc: {  	v13 =	vsub.f32 v5, v6;
	v5 =	vld.idx.msk [tilespmem:v3+s12+$0x100 ss:$0x1], $0xffff;
	[tilespmem:v3+s14+$0x0 ss:$0x1] =	vst.idx.msk $0xffff, v11;
	s14 =	smov.u32 s0;
	s0 =	smov.u32 s12  }
0xbd: {  	v10 =	vsub.f32 v4, v6;
	v11 =	vmul.f32 v12, v8;
	s12 =	sshra.s32 s15, $0x2;
	v4 =	vld.idx.msk [tilespmem:v3+s0+$0x80 ss:$0x1], $0xffff  }
0xbe: {  	s7 =	sadd.s32 $0x200, s7;
	v12 =	vsub.f32 v9, v6;
	v13 =	vmul.f32 v13, v8;
	s12 =	sadd.s32 s12, s31;
	v9 =	vld.idx.msk [tilespmem:v3+s0+$0x0 ss:$0x1], $0xffff  }
0xbf: {  	_ =	sdelay $0x2  }
0xc0: {  	s6 =	sadd.s32 s8, s12  }
0xc1: {  	v14 =	vld.idx.msk [tilespmem:v3+s6+$0x180 ss:$0x1], $0xffff  }
0xc2: {  	v10 =	vmul.f32 v10, v8;
	[tilespmem:v3+s14+$0x180 ss:$0x1] =	vst.idx.msk $0xffff, v11;
	v7 =	vsub.f32 v7, v6;
	v57 =	vld.idx.msk [tilespmem:v3+s6+$0x100 ss:$0x1], $0xffff  }
0xc3: {  	v12 =	vmul.f32 v12, v8;
	[tilespmem:v3+s14+$0x100 ss:$0x1] =	vst.idx.msk $0xffff, v13;
	v58 =	vld.idx.msk [tilespmem:v3+s6+$0x80 ss:$0x1], $0xffff;
	v5 =	vsub.f32 v5, v6  }
0xc4: {  	v59 =	vld.idx.msk [tilespmem:v3+s6+$0x0 ss:$0x1], $0xffff;
	[tilespmem:v3+s14+$0x80 ss:$0x1] =	vst.idx.msk $0xffff, v10;
	v4 =	vsub.f32 v4, v6;
	v7 =	vmul.f32 v7, v8  }
0xc5: {  	[tilespmem:v3+s14+$0x0 ss:$0x1] =	vst.idx.msk $0xffff, v12;
	v9 =	vsub.f32 v9, v6;
	v5 =	vmul.f32 v5, v8  }
0xc6: {  	v4 =	vmul.f32 v4, v8;
	[tilespmem:v3+s0+$0x180 ss:$0x1] =	vst.idx.msk $0xffff, v7;
	v60 =	vsub.f32 v14, v6  }
0xc7: {  	v9 =	vmul.f32 v9, v8;
	[tilespmem:v3+s0+$0x100 ss:$0x1] =	vst.idx.msk $0xffff, v5;
	v61 =	vsub.f32 v57, v6  }
0xc8: {  	p0 =	slt.u32 s30, $0x2E;
	v62 =	vsub.f32 v58, v6;
	[tilespmem:v3+s0+$0x80 ss:$0x1] =	vst.idx.msk $0xffff, v4;
	v7 =	vmul.f32 v60, v8  }
.Ltmp4:
0xc9: {  	v63 =	vsub.f32 v59, v6;
	[tilespmem:v3+s0+$0x0 ss:$0x1] =	vst.idx.msk $0xffff, v9;
	v5 =	vmul.f32 v61, v8;
	(pc) =	sbr.rel @p0 .LBB2_3-.Ltmp4, $4  }
0xca: {  	v4 =	vmul.f32 v62, v8;
	[tilespmem:v3+s6+$0x180 ss:$0x1] =	vst.idx.msk $0xffff, v7  }
0xcb: {  	v6 =	vmul.f32 v63, v8;
	[tilespmem:v3+s6+$0x100 ss:$0x1] =	vst.idx.msk $0xffff, v5  }
0xcc: {  	s31 =	sadd.s32 $0x2, s30;
	[tilespmem:v3+s6+$0x80 ss:$0x1] =	vst.idx.msk $0xffff, v4  }
0xcd: {  	s30 =	smov.u32 s31;
	[tilespmem:v3+s6+$0x0 ss:$0x1] =	vst.idx.msk $0xffff, v6  }
0xce: {  	s29 =	smul.u32 $0x50, s28;
	_ =	sdelay $0x1  }
0xcf: {  	p0 =	seq.s32 s28, $0xB;
	s0 =	sadd.s32 s5, s29  }
.Ltmp5:
0xd0: {  	s0 =	sshrl.u32 s0, $0x3;
	(pc) =	sbr.rel @p0 .LBB2_10-.Ltmp5, $3  }
0xd1: {  	s0 =	smul.u32 $0x300, s0;
	_ =	sdelay $0x1  }
0xd2: {  	s0 =	sadd.s32 s3, s0  }
0xd3: {  	[hbm4b:s0+s4] =	stream.linear.scatter [tilespmem:s16], [sflag:$0x3], $0x7800, $0x38;
	[tilespmem:$0xFA00] =	vst v63  }
0xd4: {  	_ =	swait.ge [sflag:s25], $0x7800;
	s0 =	smul.u32 $0x140, s28  }
0xd5: {  	[sflag:s25] =	ssyncset.done $0x0  }
0xd6: {  	[sflag:s25] =	ssyncadd.s32 $0xFFFF8800;
	s0 =	sshra.s32 s0, $0x2  }
0xd7: {  	v3 =	vld [tilespmem:s0+$0x50];
	_ =	sdelay $0x4  }
0xd8: {  	v4 =	vshrl.u32 v3, $0x3  }
0xd9: {  	v4 =	vmul.u32 $0x30, v4  }
0xda: {  	v3 =	vand.u32 $0x7, v3  }
0xdb: {  	v3 =	vor.u32 v3, v4  }
0xdc: {  	v4 =	vperm.xlane v3, v0;
	_ =	sdelay $0x1  }
0xdd: {  	v4 =	vadd.s32 v1, v4;
	_ =	sdelay $0x3  }
0xde: {  	v3 =	vperm.xlane v3, v2  }
0xdf: {  	[tilespmem:s16], [sflag:$0x1] =	stream.indirect_vreg.gather [hbm4b:s1+s4], $0x80, v4, vm0, $0xb8;
	[tilespmem:$0xFA00] =	vst v63  }
0xe0: {  	s6 =	simm.s32 $0x1200;
	v3 =	vadd.s32 v1, v3  }
0xe1: {  	[tilespmem:s6], [sflag:$0x1] =	stream.indirect_vreg.gather [hbm4b:s9+s4], $0x80, v4, vm0, $0xb8;
	[tilespmem:$0xFA00] =	vst v63  }
0xe2: {  	s30 =	simm.s32 $0x1A00  }
0xe3: {  	[tilespmem:s30], [sflag:$0x1] =	stream.indirect_vreg.gather [hbm4b:s10+s4], $0x80, v4, vm0, $0xb8;
	[tilespmem:$0xFA00] =	vst v63  }
0xe4: {  	s31 =	simm.s32 $0x2200  }
0xe5: {  	[tilespmem:s31], [sflag:$0x1] =	stream.indirect_vreg.gather [hbm4b:s1+s4], $0x80, v3, vm0, $0xb8;
	[tilespmem:$0xFA00] =	vst v63  }
0xe6: {  	s7 =	simm.s32 $0x2A00  }
0xe7: {  	[tilespmem:s7], [sflag:$0x1] =	stream.indirect_vreg.gather [hbm4b:s9+s4], $0x80, v3, vm0, $0xb8;
	[tilespmem:$0xFA00] =	vst v63  }
0xe8: {  	s8 =	simm.s32 $0x3200  }
0xe9: {  	[tilespmem:s8], [sflag:$0x1] =	stream.indirect_vreg.gather [hbm4b:s10+s4], $0x80, v3, vm0, $0xb8;
	[tilespmem:$0xFA00] =	vst v63  }
0xea: {  	v3 =	vld [tilespmem:s0+$0x60];
	_ =	sdelay $0x4  }
0xeb: {  	v62 =	vshrl.u32 v3, $0x3  }
0xec: {  	v4 =	vmul.u32 $0x30, v62  }
0xed: {  	v3 =	vand.u32 $0x7, v3  }
0xee: {  	v3 =	vor.u32 v3, v4  }
0xef: {  	v4 =	vperm.xlane v3, v0;
	_ =	sdelay $0x1  }
0xf0: {  	v4 =	vadd.s32 v1, v4;
	_ =	sdelay $0x3  }
0xf1: {  	s12 =	simm.s32 $0x3A00;
	v3 =	vperm.xlane v3, v2  }
0xf2: {  	[tilespmem:s12], [sflag:$0x1] =	stream.indirect_vreg.gather [hbm4b:s1+s4], $0x80, v4, vm0, $0xb8;
	[tilespmem:$0xFA00] =	vst v63  }
0xf3: {  	s13 =	simm.s32 $0x4200;
	v3 =	vadd.s32 v1, v3  }
0xf4: {  	[tilespmem:s13], [sflag:$0x1] =	stream.indirect_vreg.gather [hbm4b:s9+s4], $0x80, v4, vm0, $0xb8;
	[tilespmem:$0xFA00] =	vst v63  }
0xf5: {  	s14 =	simm.s32 $0x4A00  }
0xf6: {  	[tilespmem:s14], [sflag:$0x1] =	stream.indirect_vreg.gather [hbm4b:s10+s4], $0x80, v4, vm0, $0xb8;
	[tilespmem:$0xFA00] =	vst v63  }
0xf7: {  	s15 =	simm.s32 $0x5200  }
0xf8: {  	[tilespmem:s15], [sflag:$0x1] =	stream.indirect_vreg.gather [hbm4b:s1+s4], $0x80, v3, vm0, $0xb8;
	[tilespmem:$0xFA00] =	vst v63  }
0xf9: {  	s17 =	simm.s32 $0x5A00  }
0xfa: {  	[tilespmem:s17], [sflag:$0x1] =	stream.indirect_vreg.gather [hbm4b:s9+s4], $0x80, v3, vm0, $0xb8;
	[tilespmem:$0xFA00] =	vst v63  }
0xfb: {  	s18 =	simm.s32 $0x6200  }
0xfc: {  	[tilespmem:s18], [sflag:$0x1] =	stream.indirect_vreg.gather [hbm4b:s10+s4], $0x80, v3, vm0, $0xb8;
	[tilespmem:$0xFA00] =	vst v63  }
0xfd: {  	v3 =	vld.msk [tilespmem:s0+$0x70], $0xff;
	_ =	sdelay $0x4  }
0xfe: {  	v63 =	vshrl.u32 v3, $0x3  }
0xff: {  	v4 =	vmul.u32 $0x30, v63  }
0x100: {  	v3 =	vand.u32 $0x7, v3  }
0x101: {  	v3 =	vor.u32 v3, v4  }
0x102: {  	v3 =	vperm.xlane v3, v0;
	_ =	sdelay $0x1  }
0x103: {  	v3 =	vadd.s32 v1, v3;
	_ =	sdelay $0x3  }
0x104: {  	s19 =	simm.s32 $0x6A00  }
0x105: {  	[tilespmem:s19], [sflag:$0x1] =	stream.indirect_vreg.gather [hbm4b:s1+s4], $0x80, v3, vm0, $0xb8;
	[tilespmem:$0xFA00] =	vst v63  }
0x106: {  	s30 =	simm.s32 $0x7200  }
0x107: {  	[tilespmem:s30], [sflag:$0x1] =	stream.indirect_vreg.gather [hbm4b:s9+s4], $0x80, v3, vm0, $0xb8;
	[tilespmem:$0xFA00] =	vst v63  }
0x108: {  	s31 =	simm.s32 $0x7A00  }
0x109: {  	[tilespmem:s31], [sflag:$0x1] =	stream.indirect_vreg.gather [hbm4b:s10+s4], $0x80, v3, vm0, $0xb8;
	[tilespmem:$0xFA00] =	vst v63  }
.LBB2_10:
0x10a: {  	_ =	swait.ge [sflag:s24], $0x7800  }
0x10b: {  	[sflag:s24] =	ssyncset.done $0x0  }
0x10c: {  	s30 =	simm.s32 $0x0;
	s31 =	simm.s32 $0x0;
	[sflag:s24] =	ssyncadd.s32 $0xFFFF8800  }
.LBB2_11:
0x10d: {  	s15 =	sshll.u32 s31, $0x4  }
0x10e: {  	s0 =	simm.s32 $0x0;
	s7 =	sand.u32 $0x60, s15  }
0x10f: {  	s6 =	sshll.u32 s31, $0x7;
	s8 =	smul.u32 $0x6000, s0;
	v4 =	vmov s7  }
0x110: {  	s6 =	sand.u32 $0x1C00, s6  }
0x111: {  	s0 =	sor.u32 $0x8200, s6;
	s12 =	sshra.s32 s8, $0x2  }
0x112: {  	s13 =	sand.u32 $0x200, s30;
	v7 =	vld [tilespmem:s15+$0x400];
	s6 =	sadd.s32 s12, s0  }
0x113: {  	v5 =	vld [tilespmem:s15+$0x700];
	s12 =	simm.s32 $0x0;
	s6 =	sadd.s32 s13, s6  }
0x114: {  	s14 =	smul.u32 $0x6000, s12;
	v3 =	vld.idx.msk [tilespmem:v4+s6+$0x180 ss:$0x1], $0xffff  }
0x115: {  	v6 =	vld.idx.msk [tilespmem:v4+s6+$0x100 ss:$0x1], $0xffff  }
0x116: {  	s17 =	simm.s32 $0x200;
	s8 =	sshra.s32 s14, $0x2;
	v8 =	vld.idx.msk [tilespmem:v4+s6+$0x80 ss:$0x1], $0xffff  }
0x117: {  	s12 =	sand.u32 $0x200, s17;
	v13 =	vld.idx.msk [tilespmem:v4+s6+$0x0 ss:$0x1], $0xffff;
	s8 =	sadd.s32 s8, s0  }
0x118: {  	s13 =	simm.s32 $0x1;
	s14 =	sadd.s32 s12, s8  }
0x119: {  	s18 =	smul.u32 $0x6000, s13;
	v10 =	vld.idx.msk [tilespmem:v4+s14+$0x180 ss:$0x1], $0xffff  }
0x11a: {  	s19 =	simm.s32 $0x400;
	v9 =	vld.idx.msk [tilespmem:v4+s14+$0x100 ss:$0x1], $0xffff;
	v3 =	vsub.f32 v3, v7;
	v14 =	vsub.f32 v6, v7  }
0x11b: {  	s13 =	sand.u32 $0x200, s19;
	s12 =	sshra.s32 s18, $0x2;
	v6 =	vld.idx.msk [tilespmem:v4+s14+$0x80 ss:$0x1], $0xffff;
	v11 =	vsub.f32 v8, v7  }
0x11c: {  	s8 =	simm.s32 $0x8;
	s17 =	sadd.s32 s12, s0;
	s12 =	simm.s32 $0x600;
	v8 =	vld.idx.msk [tilespmem:v4+s14+$0x0 ss:$0x1], $0xffff;
	v13 =	vsub.f32 v13, v7;
	v12 =	vmul.f32 v3, v5;
	v14 =	vmul.f32 v14, v5  }
.LBB2_12:
0x11d: {  	s8 =	sadd.s32 $0x4, s8  }
0x11e: {  	s18 =	sand.u32 $0x200, s12;
	v3 =	vmul.f32 v11, v5;
	[tilespmem:v4+s6+$0x180 ss:$0x1] =	vst.idx.msk $0xffff, v12;
	p1 =	slt.u32 s8, $0x24  }
.Ltmp6:
0x11f: {  	s17 =	sadd.s32 s13, s17;
	s19 =	sshrl.u32 s8, $0x3;
	v11 =	vmul.f32 v13, v5;
	[tilespmem:v4+s6+$0x100 ss:$0x1] =	vst.idx.msk $0xffff, v14;
	(pc) =	sbr.rel @p1 .LBB2_12-.Ltmp6, $4  }
0x120: {  	v12 =	vsub.f32 v10, v7;
	s13 =	smov.u32 s18;
	s19 =	smul.u32 $0x6000, s19;
	v10 =	vld.idx.msk [tilespmem:v4+s17+$0x180 ss:$0x1], $0xffff;
	[tilespmem:v4+s6+$0x80 ss:$0x1] =	vst.idx.msk $0xffff, v3  }
0x121: {  	v3 =	vsub.f32 v9, v7;
	v9 =	vld.idx.msk [tilespmem:v4+s17+$0x100 ss:$0x1], $0xffff;
	[tilespmem:v4+s6+$0x0 ss:$0x1] =	vst.idx.msk $0xffff, v11;
	s6 =	smov.u32 s14;
	s14 =	smov.u32 s17  }
0x122: {  	v11 =	vsub.f32 v6, v7;
	v12 =	vmul.f32 v12, v5;
	s17 =	sshra.s32 s19, $0x2;
	v6 =	vld.idx.msk [tilespmem:v4+s14+$0x80 ss:$0x1], $0xffff  }
0x123: {  	s12 =	sadd.s32 $0x200, s12;
	v13 =	vsub.f32 v8, v7;
	v14 =	vmul.f32 v3, v5;
	s17 =	sadd.s32 s17, s0;
	v8 =	vld.idx.msk [tilespmem:v4+s14+$0x0 ss:$0x1], $0xffff  }
0x124: {  	_ =	sdelay $0x2  }
0x125: {  	s8 =	sadd.s32 s13, s17  }
0x126: {  	s7 =	sor.u32 $0x10, s7;
	s12 =	simm.s32 $0x0;
	v15 =	vld.idx.msk [tilespmem:v4+s8+$0x180 ss:$0x1], $0xffff  }
0x127: {  	v16 =	vld.idx.msk [tilespmem:v4+s8+$0x100 ss:$0x1], $0xffff;
	v3 =	vmov s7;
	s12 =	smul.u32 $0x6000, s12  }
0x128: {  	v11 =	vmul.f32 v11, v5;
	[tilespmem:v4+s6+$0x180 ss:$0x1] =	vst.idx.msk $0xffff, v12;
	s18 =	sand.u32 $0x380, s15;
	v10 =	vsub.f32 v10, v7;
	v12 =	vld.idx.msk [tilespmem:v4+s8+$0x80 ss:$0x1], $0xffff  }
0x129: {  	s19 =	simm.s32 $0x0;
	v13 =	vmul.f32 v13, v5;
	[tilespmem:v4+s6+$0x100 ss:$0x1] =	vst.idx.msk $0xffff, v14;
	v14 =	vld.idx.msk [tilespmem:v4+s8+$0x0 ss:$0x1], $0xffff;
	s7 =	sor.u32 s18, s7;
	v9 =	vsub.f32 v9, v7;
	s12 =	sshra.s32 s12, $0x2  }
0x12a: {  	s13 =	sand.u32 $0x200, s19;
	[tilespmem:v4+s6+$0x80 ss:$0x1] =	vst.idx.msk $0xffff, v11;
	v11 =	vsub.f32 v6, v7;
	v10 =	vmul.f32 v10, v5;
	v6 =	vld [tilespmem:s7+$0x400];
	s12 =	sadd.s32 s12, s0  }
0x12b: {  	[tilespmem:v4+s6+$0x0 ss:$0x1] =	vst.idx.msk $0xffff, v13;
	v13 =	vsub.f32 v8, v7;
	v9 =	vmul.f32 v9, v5;
	v8 =	vld [tilespmem:s7+$0x700];
	s7 =	simm.s32 $0x0;
	s15 =	sadd.s32 s13, s12  }
0x12c: {  	v11 =	vmul.f32 v11, v5;
	[tilespmem:v4+s14+$0x180 ss:$0x1] =	vst.idx.msk $0xffff, v10;
	s6 =	smul.u32 $0x6000, s7;
	v10 =	vsub.f32 v15, v7;
	v15 =	vld.idx.msk [tilespmem:v3+s15+$0x180 ss:$0x1], $0xffff  }
0x12d: {  	v13 =	vmul.f32 v13, v5;
	[tilespmem:v4+s14+$0x100 ss:$0x1] =	vst.idx.msk $0xffff, v9;
	v9 =	vsub.f32 v16, v7;
	v63 =	vld.idx.msk [tilespmem:v3+s15+$0x100 ss:$0x1], $0xffff  }
0x12e: {  	s13 =	simm.s32 $0x200;
	[tilespmem:v4+s14+$0x80 ss:$0x1] =	vst.idx.msk $0xffff, v11;
	v11 =	vsub.f32 v12, v7;
	s6 =	sshra.s32 s6, $0x2;
	v12 =	vld.idx.msk [tilespmem:v3+s15+$0x80 ss:$0x1], $0xffff;
	v10 =	vmul.f32 v10, v5  }
0x12f: {  	s7 =	sand.u32 $0x200, s13;
	v7 =	vsub.f32 v14, v7;
	[tilespmem:v4+s14+$0x0 ss:$0x1] =	vst.idx.msk $0xffff, v13;
	v9 =	vmul.f32 v9, v5;
	s6 =	sadd.s32 s6, s0;
	v13 =	vld.idx.msk [tilespmem:v3+s15+$0x0 ss:$0x1], $0xffff  }
0x130: {  	s17 =	simm.s32 $0x1;
	s6 =	sadd.s32 s7, s6;
	[tilespmem:v4+s8+$0x180 ss:$0x1] =	vst.idx.msk $0xffff, v10;
	v10 =	vmul.f32 v11, v5  }
0x131: {  	s12 =	smul.u32 $0x6000, s17;
	v11 =	vmul.f32 v7, v5;
	[tilespmem:v4+s8+$0x100 ss:$0x1] =	vst.idx.msk $0xffff, v9;
	v7 =	vld.idx.msk [tilespmem:v3+s6+$0x180 ss:$0x1], $0xffff  }
0x132: {  	s18 =	simm.s32 $0x400;
	v5 =	vld.idx.msk [tilespmem:v3+s6+$0x100 ss:$0x1], $0xffff;
	v9 =	vsub.f32 v15, v6;
	v14 =	vsub.f32 v63, v6;
	[tilespmem:v4+s8+$0x80 ss:$0x1] =	vst.idx.msk $0xffff, v10  }
0x133: {  	s19 =	sshra.s32 s12, $0x2;
	s12 =	sand.u32 $0x200, s18;
	[tilespmem:v4+s8+$0x0 ss:$0x1] =	vst.idx.msk $0xffff, v11;
	v4 =	vld.idx.msk [tilespmem:v3+s6+$0x80 ss:$0x1], $0xffff;
	v10 =	vsub.f32 v12, v6  }
0x134: {  	s13 =	sadd.s32 s19, s0;
	s7 =	simm.s32 $0x8;
	s8 =	simm.s32 $0x600;
	v11 =	vmul.f32 v9, v8;
	v9 =	vld.idx.msk [tilespmem:v3+s6+$0x0 ss:$0x1], $0xffff;
	v12 =	vsub.f32 v13, v6;
	v13 =	vmul.f32 v14, v8  }
.LBB2_14:
0x135: {  	s7 =	sadd.s32 $0x4, s7  }
0x136: {  	s14 =	sand.u32 $0x200, s8;
	v10 =	vmul.f32 v10, v8;
	[tilespmem:v3+s15+$0x180 ss:$0x1] =	vst.idx.msk $0xffff, v11;
	p1 =	slt.u32 s7, $0x24  }
.Ltmp7:
0x137: {  	s13 =	sadd.s32 s12, s13;
	s17 =	sshrl.u32 s7, $0x3;
	v11 =	vmul.f32 v12, v8;
	[tilespmem:v3+s15+$0x100 ss:$0x1] =	vst.idx.msk $0xffff, v13;
	(pc) =	sbr.rel @p1 .LBB2_14-.Ltmp7, $4  }
0x138: {  	v12 =	vsub.f32 v7, v6;
	s12 =	smov.u32 s14;
	s17 =	smul.u32 $0x6000, s17;
	v7 =	vld.idx.msk [tilespmem:v3+s13+$0x180 ss:$0x1], $0xffff;
	[tilespmem:v3+s15+$0x80 ss:$0x1] =	vst.idx.msk $0xffff, v10  }
0x139: {  	v13 =	vsub.f32 v5, v6;
	v5 =	vld.idx.msk [tilespmem:v3+s13+$0x100 ss:$0x1], $0xffff;
	[tilespmem:v3+s15+$0x0 ss:$0x1] =	vst.idx.msk $0xffff, v11;
	s15 =	smov.u32 s6;
	s6 =	smov.u32 s13  }
0x13a: {  	v10 =	vsub.f32 v4, v6;
	v11 =	vmul.f32 v12, v8;
	s13 =	sshra.s32 s17, $0x2;
	v4 =	vld.idx.msk [tilespmem:v3+s6+$0x80 ss:$0x1], $0xffff  }
0x13b: {  	s8 =	sadd.s32 $0x200, s8;
	v12 =	vsub.f32 v9, v6;
	v13 =	vmul.f32 v13, v8;
	s13 =	sadd.s32 s13, s0;
	v9 =	vld.idx.msk [tilespmem:v3+s6+$0x0 ss:$0x1], $0xffff  }
0x13c: {  	_ =	sdelay $0x2  }
0x13d: {  	s0 =	sadd.s32 s12, s13  }
0x13e: {  	v14 =	vld.idx.msk [tilespmem:v3+s0+$0x180 ss:$0x1], $0xffff  }
0x13f: {  	v10 =	vmul.f32 v10, v8;
	[tilespmem:v3+s15+$0x180 ss:$0x1] =	vst.idx.msk $0xffff, v11;
	v7 =	vsub.f32 v7, v6;
	v57 =	vld.idx.msk [tilespmem:v3+s0+$0x100 ss:$0x1], $0xffff  }
0x140: {  	v12 =	vmul.f32 v12, v8;
	[tilespmem:v3+s15+$0x100 ss:$0x1] =	vst.idx.msk $0xffff, v13;
	v58 =	vld.idx.msk [tilespmem:v3+s0+$0x80 ss:$0x1], $0xffff;
	v5 =	vsub.f32 v5, v6  }
0x141: {  	v59 =	vld.idx.msk [tilespmem:v3+s0+$0x0 ss:$0x1], $0xffff;
	[tilespmem:v3+s15+$0x80 ss:$0x1] =	vst.idx.msk $0xffff, v10;
	v4 =	vsub.f32 v4, v6;
	v7 =	vmul.f32 v7, v8  }
0x142: {  	[tilespmem:v3+s15+$0x0 ss:$0x1] =	vst.idx.msk $0xffff, v12;
	v9 =	vsub.f32 v9, v6;
	v5 =	vmul.f32 v5, v8  }
0x143: {  	v4 =	vmul.f32 v4, v8;
	[tilespmem:v3+s6+$0x180 ss:$0x1] =	vst.idx.msk $0xffff, v7;
	v60 =	vsub.f32 v14, v6  }
0x144: {  	v9 =	vmul.f32 v9, v8;
	[tilespmem:v3+s6+$0x100 ss:$0x1] =	vst.idx.msk $0xffff, v5;
	v61 =	vsub.f32 v57, v6  }
0x145: {  	p1 =	slt.u32 s31, $0x2E;
	v62 =	vsub.f32 v58, v6;
	[tilespmem:v3+s6+$0x80 ss:$0x1] =	vst.idx.msk $0xffff, v4;
	v7 =	vmul.f32 v60, v8  }
.Ltmp8:
0x146: {  	v63 =	vsub.f32 v59, v6;
	[tilespmem:v3+s6+$0x0 ss:$0x1] =	vst.idx.msk $0xffff, v9;
	v5 =	vmul.f32 v61, v8;
	(pc) =	sbr.rel @p1 .LBB2_11-.Ltmp8, $4  }
0x147: {  	v4 =	vmul.f32 v62, v8;
	[tilespmem:v3+s0+$0x180 ss:$0x1] =	vst.idx.msk $0xffff, v7  }
0x148: {  	v6 =	vmul.f32 v63, v8;
	[tilespmem:v3+s0+$0x100 ss:$0x1] =	vst.idx.msk $0xffff, v5  }
0x149: {  	s19 =	sadd.s32 $0x2, s31;
	[tilespmem:v3+s0+$0x80 ss:$0x1] =	vst.idx.msk $0xffff, v4  }
0x14a: {  	s31 =	smov.u32 s19;
	[tilespmem:v3+s0+$0x0 ss:$0x1] =	vst.idx.msk $0xffff, v6  }
0x14b: {  	s0 =	sadd.s32 s29, s11  }
.Ltmp9:
0x14c: {  	s0 =	sshrl.u32 s0, $0x3;
	(pc) =	sbr.rel @p0 .LBB2_18-.Ltmp9, $3  }
0x14d: {  	s0 =	smul.u32 $0x300, s0;
	_ =	sdelay $0x1  }
0x14e: {  	s0 =	sadd.s32 s3, s0  }
0x14f: {  	[hbm4b:s0+s4] =	stream.linear.scatter [tilespmem:s2], [sflag:$0x4], $0x7800, $0x38;
	[tilespmem:$0xFA00] =	vst v63  }
0x150: {  	_ =	swait.ge [sflag:s26], $0x7800;
	s0 =	smul.u32 $0x140, s28  }
0x151: {  	[sflag:s26] =	ssyncset.done $0x0  }
0x152: {  	[sflag:s26] =	ssyncadd.s32 $0xFFFF8800;
	s0 =	sshra.s32 s0, $0x2  }
0x153: {  	v3 =	vld [tilespmem:s0+$0x78];
	_ =	sdelay $0x4  }
0x154: {  	v4 =	vshrl.u32 v3, $0x3  }
0x155: {  	v4 =	vmul.u32 $0x30, v4  }
0x156: {  	v3 =	vand.u32 $0x7, v3  }
0x157: {  	v3 =	vor.u32 v3, v4  }
0x158: {  	v4 =	vperm.xlane v3, v0;
	_ =	sdelay $0x1  }
0x159: {  	v4 =	vadd.s32 v1, v4;
	_ =	sdelay $0x3  }
0x15a: {  	v3 =	vperm.xlane v3, v2  }
0x15b: {  	[tilespmem:s2], [sflag:$0x2] =	stream.indirect_vreg.gather [hbm4b:s1+s4], $0x80, v4, vm0, $0xb8;
	[tilespmem:$0xFA00] =	vst v63  }
0x15c: {  	s6 =	simm.s32 $0x8A00;
	v3 =	vadd.s32 v1, v3  }
0x15d: {  	[tilespmem:s6], [sflag:$0x2] =	stream.indirect_vreg.gather [hbm4b:s9+s4], $0x80, v4, vm0, $0xb8;
	[tilespmem:$0xFA00] =	vst v63  }
0x15e: {  	s12 =	simm.s32 $0x9200  }
0x15f: {  	[tilespmem:s12], [sflag:$0x2] =	stream.indirect_vreg.gather [hbm4b:s10+s4], $0x80, v4, vm0, $0xb8;
	[tilespmem:$0xFA00] =	vst v63  }
0x160: {  	s13 =	simm.s32 $0x9A00  }
0x161: {  	[tilespmem:s13], [sflag:$0x2] =	stream.indirect_vreg.gather [hbm4b:s1+s4], $0x80, v3, vm0, $0xb8;
	[tilespmem:$0xFA00] =	vst v63  }
0x162: {  	s14 =	simm.s32 $0xA200  }
0x163: {  	[tilespmem:s14], [sflag:$0x2] =	stream.indirect_vreg.gather [hbm4b:s9+s4], $0x80, v3, vm0, $0xb8;
	[tilespmem:$0xFA00] =	vst v63  }
0x164: {  	s15 =	simm.s32 $0xAA00  }
0x165: {  	[tilespmem:s15], [sflag:$0x2] =	stream.indirect_vreg.gather [hbm4b:s10+s4], $0x80, v3, vm0, $0xb8;
	[tilespmem:$0xFA00] =	vst v63  }
0x166: {  	v3 =	vld [tilespmem:s0+$0x88];
	_ =	sdelay $0x4  }
0x167: {  	v62 =	vshrl.u32 v3, $0x3  }
0x168: {  	v4 =	vmul.u32 $0x30, v62  }
0x169: {  	v3 =	vand.u32 $0x7, v3  }
0x16a: {  	v3 =	vor.u32 v3, v4  }
0x16b: {  	v4 =	vperm.xlane v3, v0;
	_ =	sdelay $0x1  }
0x16c: {  	v4 =	vadd.s32 v1, v4;
	_ =	sdelay $0x3  }
0x16d: {  	s17 =	simm.s32 $0xB200;
	v3 =	vperm.xlane v3, v2  }
0x16e: {  	[tilespmem:s17], [sflag:$0x2] =	stream.indirect_vreg.gather [hbm4b:s1+s4], $0x80, v4, vm0, $0xb8;
	[tilespmem:$0xFA00] =	vst v63  }
0x16f: {  	s18 =	simm.s32 $0xBA00;
	v3 =	vadd.s32 v1, v3  }
0x170: {  	[tilespmem:s18], [sflag:$0x2] =	stream.indirect_vreg.gather [hbm4b:s9+s4], $0x80, v4, vm0, $0xb8;
	[tilespmem:$0xFA00] =	vst v63  }
0x171: {  	s19 =	simm.s32 $0xC200  }
0x172: {  	[tilespmem:s19], [sflag:$0x2] =	stream.indirect_vreg.gather [hbm4b:s10+s4], $0x80, v4, vm0, $0xb8;
	[tilespmem:$0xFA00] =	vst v63  }
0x173: {  	s29 =	simm.s32 $0xCA00  }
0x174: {  	[tilespmem:s29], [sflag:$0x2] =	stream.indirect_vreg.gather [hbm4b:s1+s4], $0x80, v3, vm0, $0xb8;
	[tilespmem:$0xFA00] =	vst v63  }
0x175: {  	s30 =	simm.s32 $0xD200  }
0x176: {  	[tilespmem:s30], [sflag:$0x2] =	stream.indirect_vreg.gather [hbm4b:s9+s4], $0x80, v3, vm0, $0xb8;
	[tilespmem:$0xFA00] =	vst v63  }
0x177: {  	s31 =	simm.s32 $0xDA00  }
0x178: {  	[tilespmem:s31], [sflag:$0x2] =	stream.indirect_vreg.gather [hbm4b:s10+s4], $0x80, v3, vm0, $0xb8;
	[tilespmem:$0xFA00] =	vst v63  }
0x179: {  	v3 =	vld.msk [tilespmem:s0+$0x98], $0xff;
	_ =	sdelay $0x4  }
0x17a: {  	v63 =	vshrl.u32 v3, $0x3  }
0x17b: {  	v4 =	vmul.u32 $0x30, v63  }
0x17c: {  	v3 =	vand.u32 $0x7, v3  }
0x17d: {  	v3 =	vor.u32 v3, v4  }
0x17e: {  	v3 =	vperm.xlane v3, v0;
	_ =	sdelay $0x1  }
0x17f: {  	v3 =	vadd.s32 v1, v3;
	_ =	sdelay $0x4  }
0x180: {  	[tilespmem:s20], [sflag:$0x2] =	stream.indirect_vreg.gather [hbm4b:s1+s4], $0x80, v3, vm0, $0xb8;
	[tilespmem:$0xFA00] =	vst v63  }
.Ltmp10:
0x181: {  	_ = 	snop;
	(pc) =	sbr.rel .LBB2_2-.Ltmp10, $4  }
0x182: {  	_ = 	snop  }
0x183: {  	[tilespmem:s21], [sflag:$0x2] =	stream.indirect_vreg.gather [hbm4b:s9+s4], $0x80, v3, vm0, $0xb8;
	[tilespmem:$0xFA00] =	vst v63  }
0x184: {  	s28 =	sadd.s32 $0x1, s28  }
0x185: {  	[tilespmem:s22], [sflag:$0x2] =	stream.indirect_vreg.gather [hbm4b:s10+s4], $0x80, v3, vm0, $0xb8;
	[tilespmem:$0xFA00] =	vst v63  }
.LBB2_19:
0x186: {  	_ =	sfence.sel $0x180000  }
0x187: {  	[bflag:$0x0] =	sbarrier.arrive $0xFFFF  }
0x188: {  	_ =	strace $0x90000047  }
0x189: {  	s0 =	stileid.u32;
	[bflag:$0x2] =	sbarrier.arrive $0xFFFF  }
0x18a: {  	p0 =	sne.s32 s0, $0x0;
	s0 =	rddreg [dreg:$0x3]  }
0x18b: {  	s0 =	sadd.s32 @!p0 $0x100000, s0  }
0x18c: {  	[sflag:s0] =	ssyncadd.tile.s32 @!p0 $0x1;
	_ =	shalt  }
.Lfunc_end2:
_tile_overlayer_lowered:
.L_overlay_start_2:
0x18d: {  	(tag) =	ssettag $0x2  }
0x18e: {  	s0 =	rddreg [dreg:$0x0];
	s2 =	stileid.u32  }
0x18f: {  	s1 =	rddreg [dreg:$0x1];
	p0 =	sne.s32 s2, $0x0  }
0x190: {  	s3 =	rddreg [dreg:$0x2];
	[bflag:$0x3] =	sbarrier.arrive $0xFFFF;
	s2 =	simm.s32 @!p0 $0x1C05  }
0x191: {  	[timem:s3], [sflag:s2] =	dma.local @!p0 [hbm:s0], s1  }
0x192: {  	s0 =	simm.s32 @!p0 $0x5  }
0x193: {  	_ =	swait.ge @!p0 [sflag:s0], s1  }
0x194: {  	s1 =	ssub.s32 @!p0 $0x0, s1;
	[sflag:s0] =	ssyncset.done @!p0 $0x0  }
0x195: {  	[sflag:s0] =	ssyncadd.s32 @!p0 s1  }
0x196: {  	[bflag:$0x3] =	sbarrier.arrive $0xFFFF  }
0x197: {  	_ =	shalt  }

// kernel: kernel.8.cloned.1.call-start
scs
__scs_entry_jumppad:
0x0: {  	(pc) =	sbr.rel $0x88, $3  }
0x1: {  	(tag) =	ssettag $0x0;
	lr =	simm.s32 $0x1  }
0x2: {  	[smem:$0x3F9F] =	sst lr;
	_ =	strace $0xD0000000  }
0x3: {  	_ = 	snop  }
0x4: {  	_ = 	snop  }
0x5: {  	_ = 	snop  }
0x6: {  	_ = 	snop  }
0x7: {  	_ = 	snop  }
__scs_overlays_trampoline_lowered:
0x8: {  	[smem:$0x3FAE] =	sst s0  }
0x9: {  	[smem:$0x3FAF] =	sst s1  }
0xa: {  	[smem:$0x3FB0] =	sst s2  }
0xb: {  	[smem:$0x3FB1] =	sst s3  }
0xc: {  	[smem:$0x3FB2] =	sst s4  }
0xd: {  	[smem:$0x3FB3] =	sst s5  }
0xe: {  	[smem:$0x3FB4] =	sst s6  }
0xf: {  	[smem:$0x3FB5] =	sst s7  }
0x10: {  	[smem:$0x3FB6] =	sst s8  }
0x11: {  	[smem:$0x3FB7] =	sst s9;
	s0 =	simm.s32 @!p0 $0x0  }
0x12: {  	s1 =	sld [smem:$0x3F9D];
	s0 =	simm.s32 @p0 $0x1  }
0x13: {  	[smem:$0x3FB8] =	sst s0;
	s0 =	simm.s32 @!p1 $0x0  }
0x14: {  	s2 =	sld [smem:$0x3F9C];
	s0 =	simm.s32 @p1 $0x1  }
0x15: {  	[smem:$0x3FB9] =	sst s0;
	s0 =	simm.s32 @!p2 $0x0  }
0x16: {  	s3 =	sld [smem:$0x3FDB];
	s0 =	simm.s32 @p2 $0x1  }
0x17: {  	s4 =	simm.s32 $0x1BF5;
	[smem:$0x3FBB] =	sst s0  }
0x18: {  	s0 =	sld [smem:$0x3F9E];
	_ =	swait.ge [sflag:s4], $0x0  }
0x19: {  	s7 =	sld [smem:$0x3F9F]  }
0x1a: {  	s8 =	sadd.s32 $0xFFFFE003, lr  }
0x1b: {  	s9 =	sadd.s32 $0xFFFFFEF7, lr;
	s5 =	simm.s32 $0xFFFFFFFF;
	p2 =	slt.u32 s8, $0xFFFFF086  }
0x1c: {  	p1 =	slt.u32 s9, $0xF7A;
	s5 =	simm.s32 @!p2 $0x0  }
0x1d: {  	s5 =	simm.s32 @p1 $0x1;
	p0 =	seq.s32 s7, s2  }
0x1e: {  	s7 =	smul.u32 @!p0 $0xF7A, s2;
	p2 =	seq.s32 @!p0 s5, $0x0  }
0x1f: {  	s9 =	smul.u32 $0xF7A, s1;
	s8 =	simm.s32 @!p0 $0x1BF5;
	p2 =	por !p2, p0  }
0x20: {  	[sflag:s8] =	ssyncset.s32 @!p0 $0xFFFFF086;
	s6 =	sadd.s32 @!p0 s3, s7;
	s7 =	simm.s32 @!p0 $0x108  }
0x21: {  	s3 =	sadd.s32 s3, s9;
	s6 =	sadd.s32 @!p0 $0x88, s6;
	s7 =	simm.s32 @p2 $0x1082  }
0x22: {  	[simem:s7], [sflag:s8] =	dma.local @!p0 [hbm:s6], $0xF7A  }
0x23: {  	s9 =	sor.u32 $0xD0000000, s2;
	s6 =	simm.s32 $0x108;
	_ =	swait.ge @!p0 [sflag:s8], $0x0  }
0x24: {  	s3 =	sadd.s32 $0x88, s3;
	s6 =	simm.s32 @!p1 $0x1082;
	[sflag:s4] =	ssyncset.s32 $0xFFFFF086  }
0x25: {  	[simem:s6], [sflag:s4] =	dma.local [hbm:s3], $0xF7A  }
0x26: {  	[smem:$0x3F9F] =	sst s1;
	(tag) =	ssettag s2;
	_ =	strace s9  }
0x27: {  	s1 =	sld [smem:$0x3FAF]  }
0x28: {  	s2 =	sld [smem:$0x3FB0]  }
0x29: {  	s4 =	sld [smem:$0x3FB2]  }
0x2a: {  	p0 =	seq.s32 s5, $0x0;
	s5 =	sld [smem:$0x3FB3]  }
0x2b: {  	s6 =	sld [smem:$0x3FB4]  }
0x2c: {  	s7 =	sld [smem:$0x3FB5]  }
0x2d: {  	s3 =	simm.s32 $0x108;
	s8 =	sld [smem:$0x3FB6]  }
0x2e: {  	s3 =	simm.s32 @!p0 $0x1082;
	s9 =	sld [smem:$0x3FB7]  }
0x2f: {  	lr =	sadd.s32 s0, s3;
	s0 =	sld [smem:$0x3FAE]  }
0x30: {  	s3 =	sld [smem:$0x3FB1]  }
0x31: {  	[smem:$0x3FBA] =	sst s10  }
0x32: {  	s10 =	sld [smem:$0x3FB8];
	_ =	sdelay $0x3  }
0x33: {  	p0 =	seq.s32 s10, $0x1;
	s10 =	sld [smem:$0x3FBA];
	_ =	sdelay $0x3  }
0x34: {  	[smem:$0x3FBA] =	sst s10  }
0x35: {  	s10 =	sld [smem:$0x3FB9];
	_ =	sdelay $0x3  }
0x36: {  	p1 =	seq.s32 s10, $0x1;
	s10 =	sld [smem:$0x3FBA];
	_ =	sdelay $0x3  }
0x37: {  	[smem:$0x3FBA] =	sst s10  }
0x38: {  	s10 =	sld [smem:$0x3FBB]  }
0x39: {  	_ = 	snop;
	(pc) =	sbr.ind lr, $3  }
0x3a: {  	_ = 	snop  }
0x3b: {  	_ = 	snop  }
0x3c: {  	p2 =	seq.s32 s10, $0x1;
	s10 =	sld [smem:$0x3FBA]  }
0x3d: {  	_ =	shalt  }
0x3e: {  	_ =	shalt  }
0x3f: {  	_ =	shalt  }
0x40: {  	_ =	shalt  }
0x41: {  	_ =	shalt  }
0x42: {  	_ =	shalt  }
0x43: {  	_ =	shalt  }
0x44: {  	_ =	shalt  }
0x45: {  	_ =	shalt  }
0x46: {  	_ =	shalt  }
0x47: {  	_ =	shalt  }
0x48: {  	_ =	shalt  }
0x49: {  	_ =	shalt  }
0x4a: {  	_ =	shalt  }
0x4b: {  	_ =	shalt  }
0x4c: {  	_ =	shalt  }
0x4d: {  	_ =	shalt  }
0x4e: {  	_ =	shalt  }
0x4f: {  	_ =	shalt  }
0x50: {  	_ =	shalt  }
0x51: {  	_ =	shalt  }
0x52: {  	_ =	shalt  }
0x53: {  	_ =	shalt  }
0x54: {  	_ =	shalt  }
0x55: {  	_ =	shalt  }
0x56: {  	_ =	shalt  }
0x57: {  	_ =	shalt  }
0x58: {  	_ =	shalt  }
0x59: {  	_ =	shalt  }
0x5a: {  	_ =	shalt  }
0x5b: {  	_ =	shalt  }
0x5c: {  	_ =	shalt  }
0x5d: {  	_ =	shalt  }
0x5e: {  	_ =	shalt  }
0x5f: {  	_ =	shalt  }
0x60: {  	_ =	shalt  }
0x61: {  	_ =	shalt  }
0x62: {  	_ =	shalt  }
0x63: {  	_ =	shalt  }
0x64: {  	_ =	shalt  }
0x65: {  	_ =	shalt  }
0x66: {  	_ =	shalt  }
0x67: {  	_ =	shalt  }
0x68: {  	_ =	shalt  }
0x69: {  	_ =	shalt  }
0x6a: {  	_ =	shalt  }
0x6b: {  	_ =	shalt  }
0x6c: {  	_ =	shalt  }
0x6d: {  	_ =	shalt  }
0x6e: {  	_ =	shalt  }
0x6f: {  	_ =	shalt  }
0x70: {  	_ =	shalt  }
0x71: {  	_ =	shalt  }
0x72: {  	_ =	shalt  }
0x73: {  	_ =	shalt  }
0x74: {  	_ =	shalt  }
0x75: {  	_ =	shalt  }
0x76: {  	_ =	shalt  }
0x77: {  	_ =	shalt  }
0x78: {  	_ =	shalt  }
0x79: {  	_ =	shalt  }
0x7a: {  	_ =	shalt  }
0x7b: {  	_ =	shalt  }
0x7c: {  	_ =	shalt  }
0x7d: {  	_ =	shalt  }
0x7e: {  	_ =	shalt  }
0x7f: {  	_ =	shalt  }
0x80: {  	_ =	shalt  }
0x81: {  	_ =	shalt  }
0x82: {  	_ =	shalt  }
0x83: {  	_ =	shalt  }
0x84: {  	_ =	shalt  }
0x85: {  	_ =	shalt  }
0x86: {  	_ =	shalt  }
0x87: {  	_ =	shalt  }
.Lfunc_end0:
.L_simem_size_0:
called_computation.1_lowered:
.L_overlay_start_0:
0x88: {  	s2 =	sld [smem:$0x3FD9]  }
0x89: {  	s3 =	sld [smem:$0x3FFE];
	_ =	sdelay $0x1  }
0x8a: {  	s1 =	srdreg.scid  }
0x8b: {  	s0 =	sand.u32 $0x1, s1  }
0x8c: {  	s17 =	sshll.u32 s0, $0xA;
	s2 =	sadd.s32 s3, s2  }
0x8d: {  	s2 =	sadd.s32 s2, s17  }
0x8e: {  	[smem:$0x3FC6] =	sst s2  }
0x8f: {  	_ = 	snop  }
0x90: {  	s2 =	sld [smem:$0x3FD0];
	(tm) =	ssettm $0x1  }
0x91: {  	s18 =	sld [smem:$0x3FFB];
	_ =	sdelay $0x3  }
0x92: {  	_ =	strace s18  }
0x93: {  	s3 =	sld [smem:$0x3FFC];
	_ =	sdelay $0x3  }
0x94: {  	_ =	strace s3  }
0x95: {  	s3 =	sld [smem:$0x3FFD];
	_ =	sdelay $0x3  }
0x96: {  	_ =	strace s3  }
0x97: {  	_ =	strace $0x8FFFFFFF  }
0x98: {  	s19 =	sld [smem:$0x3FDB];
	_ =	sdelay $0x1  }
0x99: {  	s4 =	simm.s32 $_scs_section_size  }
0x9a: {  	s5 =	simm.s32 $_size__tile_overlayer_lowered;
	s6 =	simm.s32 $_tile_overlayer_lowered  }
0x9b: {  	s22 =	simm.s32 $0x1BFF;
	s21 =	sshll.u32 s6, $0x1;
	s3 =	sadd.s32 s4, s19  }
0x9c: {  	s7 =	simm.s32 $0x0;
	s20 =	sshll.u32 s5, $0x1;
	s5 =	sadd.s32 s21, s3  }
0x9d: {  	[timem:s7], [sflag:s22] =	dma.local [hbm:s5], s20  }
0x9e: {  	_ =	swait.ge [sflag:s22], s20  }
0x9f: {  	s4 =	ssub.s32 $0x0, s20;
	[sflag:s22] =	ssyncset.done $0x0  }
0xa0: {  	[sflag:s22] =	ssyncadd.s32 s4;
	_ =	sdelay $0x1  }
0xa1: {  	s23 =	simm.s32 $0x1B8B  }
0xa2: {  	_ =	swait.ge [sflag:s23], $0x1  }
0xa3: {  	[sflag:s23] =	ssyncset.done $0x0  }
0xa4: {  	s25 =	simm.s32 $0x1B8E;
	s24 =	sld [smem:$0x3FFE];
	[sflag:s23] =	ssyncadd.s32 $0xFFFFFFFF  }
0xa5: {  	s26 =	simm.s32 $execute0_lowered;
	[smem:$0x3FD2] =	sst s25  }
0xa6: {  	s5 =	sshll.u32 s26, $0x1;
	_ =	strace $0x80000049;
	[dreg:$0x1] =	wrdreg $0xFFFFFFFF  }
0xa7: {  	s28 =	simm.s32 $_size_execute0_lowered;
	s3 =	sadd.s32 s3, s5;
	[dreg:$0x0] =	wrdreg $0x0  }
0xa8: {  	s5 =	sshll.u32 s28, $0x1;
	[dreg:$0x2] =	wrdreg s3  }
0xa9: {  	[dreg:$0x3] =	wrdreg s5  }
0xaa: {  	[dreg:$0x4] =	wrdreg $0xC0  }
0xab: {  	_ =	task [dreg:s7], $0x5FFFF  }
0xac: {  	[dreg:$0x1] =	wrdreg $0xFFFFFFFF  }
0xad: {  	[dreg:$0x0] =	wrdreg $0x60  }
0xae: {  	[dreg:$0x2] =	wrdreg s2  }
0xaf: {  	[dreg:$0x3] =	wrdreg s24  }
0xb0: {  	[dreg:$0x4] =	wrdreg $0x9  }
0xb1: {  	_ =	task.clear_ibuf [dreg:s7], $0x5FFFF;
	_ =	strace $0x90000049  }
0xb2: {  	s29 =	simm.s32 $0x9;
	_ =	strace $0x8000004B  }
0xb3: {  	_ =	swait.ge [sflag:s29], $0x1  }
0xb4: {  	[sflag:s29] =	ssyncadd.s32 $0xFFFFFFFF  }
0xb5: {  	_ =	strace $0x9000004B  }
0xb6: {  	_ =	sfence  }
0xb7: {  	s30 =	sld [smem:$0x0];
	_ =	sdelay $0x2  }
0xb8: {  	s31 =	sshll.u32 s1, $0xD;
	s1 =	sshrl.u32 s1, $0x2  }
0xb9: {  	s3 =	sand.u32 $0x4000, s31;
	s1 =	sadd.s32 s1, s30  }
0xba: {  	s0 =	sor.u32 s3, s0;
	s1 =	sshll.u32 s1, $0x11  }
0xbb: {  	s0 =	sor.u32 s1, s0  }
0xbc: {  	s0 =	sadd.s32 $0x8F2B, s0  }
0xbd: {  	[sflag:s0] =	ssyncadd.remote.s32 $0x1  }
0xbe: {  	_ =	sfence.sel $0xFFFF  }
0xbf: {  	[dreg:$0x0] =	wrdreg $0xFFFFFFFF;
	(pc) =	sbr.abs _section_cstart, $3  }
0xc0: {  	[dreg:$0x1] =	wrdreg $0xFFFFFFFF  }
0xc1: {  	_ =	task.clear_ibuf [dreg:s7], $0x2FFFF;
	_ =	strace $0x9FFFFFFF  }
0xc2: {  	(tm) =	ssettm $0x7FFFFFFF  }
0xc3: {  	_ =	shalt  }
tec
execute0_lowered:
.L_overlay_start_1:
0x0: {  	(tag) =	ssettag $0x1  }
0x1: {  	s0 =	srdreg.scid;
	s2 =	rddreg [dreg:$0x0]  }
0x2: {  	s1 =	stileid.u32;
	s4 =	rddreg [dreg:$0x1]  }
0x3: {  	s3 =	simm.s32 $0x0;
	s19 =	simm.s32 $0x1;
	s21 =	simm.s32 $0x5200  }
0x4: {  	s22 =	simm.s32 $0x2;
	s0 =	sand.u32 $0x1, s0;
	s1 =	sshll.u32 s1, $0x1  }
0x5: {  	s23 =	simm.s32 $0x3;
	s24 =	simm.s32 $0x4;
	s1 =	sor.u32 s0, s1  }
0x6: {  	[smem:$0x7FF] =	sst s3;
	s0 =	ssub.s32 $0x2, s0;
	s5 =	smul.u32 $0x140, s1  }
.Ltmp0:
0x7: {  	s7 =	sadd.s32 $0x100, s2;
	s30 =	sshrl.u32 s0, $0x1;
	(pc) =	sbr.rel .LBB2_1-.Ltmp0, $4  }
0x8: {  	_ =	strace $0x8000004A;
	s1 =	sshll.u32 s1, $0x7;
	s0 =	ssub.s32 s0, s30  }
0x9: {  	v2 =	vlaneseq.u32;
	[dreg:$0x3] =	wrdreg s1;
	s6 =	sadd.s32 s5, s4;
	s0 =	smax.u32 s0, $0x1  }
0xa: {  	vm0 =	vmmov $0xffff;
	s8 =	sadd.s32 $0x200, s2;
	v1 =	vshrl.u32 v2, $0x3;
	s31 =	sadd.s32 $0x1800, s6;
	[dreg:$0x5] =	wrdreg s0  }
0xb: {  	v0 =	vand.u32 $0x7, v2;
	v2 =	vor.u32 $0x8, v2;
	v1 =	vmul.u32 $0x8, v1;
	s1 =	simm.s32 $0x0;
	s4 =	sadd.s32 $0x4000, s4;
	[dreg:$0x4] =	wrdreg s31  }
.LBB2_28:
0xc: {  	_ =	swait.ge [sflag:s23], $0x4800  }
0xd: {  	[sflag:s23] =	ssyncset.done $0x0  }
0xe: {  	[sflag:s23] =	ssyncadd.s32 $0xFFFFB800  }
0xf: {  	_ =	swait.ge [sflag:s24], $0x4800  }
0x10: {  	s1 =	rddreg [dreg:$0x6]  }
0x11: {  	s0 =	rddreg [dreg:$0x5];
	s1 =	sadd.s32 $0x1, s1  }
0x12: {  	p0 =	sne.s32 s1, s0  }
.Ltmp1:
0x13: {  	_ = 	snop;
	(pc) =	sbr.rel @!p0 .LBB2_29-.Ltmp1, $3  }
0x14: {  	_ =	sdelay $0x1  }
0x15: {  	[sflag:s24] =	ssyncset.done $0x0  }
0x16: {  	[sflag:s24] =	ssyncadd.s32 $0xFFFFB800  }
.LBB2_1:
0x17: {  	[dreg:$0x6] =	wrdreg s1  }
0x18: {  	s0 =	rddreg [dreg:$0x4];
	s15 =	simm.s32 $0x5  }
0x19: {  	[tilespmem:s3], [sflag:$0x5] =	stream.linear.gather [hbm4b:s0+s3], $0xA00, $0x38;
	[tilespmem:$0x18A00] =	vst v63  }
0x1a: {  	_ =	swait.ge [sflag:s15], $0xA00  }
0x1b: {  	[sflag:s15] =	ssyncset.done $0x0  }
0x1c: {  	[sflag:s15] =	ssyncadd.s32 $0xFFFFF600  }
0x1d: {  	v3 =	vld [tilespmem:$0x0];
	_ =	sdelay $0x4  }
0x1e: {  	v4 =	vshrl.u32 v3, $0x3  }
0x1f: {  	v4 =	vmul.u32 $0x30, v4  }
0x20: {  	v3 =	vand.u32 $0x7, v3  }
0x21: {  	v3 =	vor.u32 v3, v4  }
0x22: {  	v4 =	vperm.xlane v3, v0;
	_ =	sdelay $0x1  }
0x23: {  	v4 =	vadd.s32 v1, v4;
	_ =	sdelay $0x3  }
0x24: {  	s16 =	simm.s32 $0x9A00;
	v3 =	vperm.xlane v3, v2  }
0x25: {  	[tilespmem:s16], [sflag:$0x1] =	stream.indirect_vreg.gather [hbm4b:s2+s3], $0x80, v4, vm0, $0xb8;
	[tilespmem:$0x18A00] =	vst v63  }
0x26: {  	s17 =	simm.s32 $0xA200;
	v3 =	vadd.s32 v1, v3  }
0x27: {  	[tilespmem:s17], [sflag:$0x1] =	stream.indirect_vreg.gather [hbm4b:s7+s3], $0x80, v4, vm0, $0xb8;
	[tilespmem:$0x18A00] =	vst v63  }
0x28: {  	s18 =	simm.s32 $0xAA00  }
0x29: {  	[tilespmem:s18], [sflag:$0x1] =	stream.indirect_vreg.gather [hbm4b:s8+s3], $0x80, v4, vm0, $0xb8;
	[tilespmem:$0x18A00] =	vst v63  }
0x2a: {  	s20 =	simm.s32 $0xB200  }
0x2b: {  	[tilespmem:s20], [sflag:$0x1] =	stream.indirect_vreg.gather [hbm4b:s2+s3], $0x80, v3, vm0, $0xb8;
	[tilespmem:$0x18A00] =	vst v63  }
0x2c: {  	s25 =	simm.s32 $0xBA00  }
0x2d: {  	[tilespmem:s25], [sflag:$0x1] =	stream.indirect_vreg.gather [hbm4b:s7+s3], $0x80, v3, vm0, $0xb8;
	[tilespmem:$0x18A00] =	vst v63  }
0x2e: {  	s26 =	simm.s32 $0xC200  }
0x2f: {  	[tilespmem:s26], [sflag:$0x1] =	stream.indirect_vreg.gather [hbm4b:s8+s3], $0x80, v3, vm0, $0xb8;
	[tilespmem:$0x18A00] =	vst v63  }
0x30: {  	v3 =	vld [tilespmem:$0x10];
	_ =	sdelay $0x4  }
0x31: {  	v59 =	vshrl.u32 v3, $0x3  }
0x32: {  	v4 =	vmul.u32 $0x30, v59  }
0x33: {  	v3 =	vand.u32 $0x7, v3  }
0x34: {  	v3 =	vor.u32 v3, v4  }
0x35: {  	v4 =	vperm.xlane v3, v0;
	_ =	sdelay $0x1  }
0x36: {  	v4 =	vadd.s32 v1, v4;
	_ =	sdelay $0x3  }
0x37: {  	s28 =	simm.s32 $0xCA00;
	v3 =	vperm.xlane v3, v2  }
0x38: {  	[tilespmem:s28], [sflag:$0x1] =	stream.indirect_vreg.gather [hbm4b:s2+s3], $0x80, v4, vm0, $0xb8;
	[tilespmem:$0x18A00] =	vst v63  }
0x39: {  	s29 =	simm.s32 $0xD200;
	v3 =	vadd.s32 v1, v3  }
0x3a: {  	[tilespmem:s29], [sflag:$0x1] =	stream.indirect_vreg.gather [hbm4b:s7+s3], $0x80, v4, vm0, $0xb8;
	[tilespmem:$0x18A00] =	vst v63  }
0x3b: {  	s30 =	simm.s32 $0xDA00  }
0x3c: {  	[tilespmem:s30], [sflag:$0x1] =	stream.indirect_vreg.gather [hbm4b:s8+s3], $0x80, v4, vm0, $0xb8;
	[tilespmem:$0x18A00] =	vst v63  }
0x3d: {  	s31 =	simm.s32 $0xE200  }
0x3e: {  	[tilespmem:s31], [sflag:$0x1] =	stream.indirect_vreg.gather [hbm4b:s2+s3], $0x80, v3, vm0, $0xb8;
	[tilespmem:$0x18A00] =	vst v63  }
0x3f: {  	s1 =	simm.s32 $0xEA00  }
0x40: {  	[tilespmem:s1], [sflag:$0x1] =	stream.indirect_vreg.gather [hbm4b:s7+s3], $0x80, v3, vm0, $0xb8;
	[tilespmem:$0x18A00] =	vst v63  }
0x41: {  	s5 =	simm.s32 $0xF200  }
0x42: {  	[tilespmem:s5], [sflag:$0x1] =	stream.indirect_vreg.gather [hbm4b:s8+s3], $0x80, v3, vm0, $0xb8;
	[tilespmem:$0x18A00] =	vst v63  }
0x43: {  	v3 =	vld.msk [tilespmem:$0x20], $0xff;
	_ =	sdelay $0x4  }
0x44: {  	v60 =	vshrl.u32 v3, $0x3  }
0x45: {  	v4 =	vmul.u32 $0x30, v60  }
0x46: {  	v3 =	vand.u32 $0x7, v3  }
0x47: {  	v3 =	vor.u32 v3, v4  }
0x48: {  	v3 =	vperm.xlane v3, v0;
	_ =	sdelay $0x1  }
0x49: {  	v3 =	vadd.s32 v1, v3;
	_ =	sdelay $0x3  }
0x4a: {  	s6 =	simm.s32 $0xFA00  }
0x4b: {  	[tilespmem:s6], [sflag:$0x1] =	stream.indirect_vreg.gather [hbm4b:s2+s3], $0x80, v3, vm0, $0xb8;
	[tilespmem:$0x18A00] =	vst v63  }
0x4c: {  	s9 =	simm.s32 $0x10200  }
0x4d: {  	[tilespmem:s9], [sflag:$0x1] =	stream.indirect_vreg.gather [hbm4b:s7+s3], $0x80, v3, vm0, $0xb8;
	[tilespmem:$0x18A00] =	vst v63  }
0x4e: {  	s10 =	simm.s32 $0x10A00  }
0x4f: {  	[tilespmem:s10], [sflag:$0x1] =	stream.indirect_vreg.gather [hbm4b:s8+s3], $0x80, v3, vm0, $0xb8;
	[tilespmem:$0x18A00] =	vst v63  }
0x50: {  	v3 =	vld [tilespmem:$0x28];
	_ =	sdelay $0x4  }
0x51: {  	v61 =	vshrl.u32 v3, $0x3  }
0x52: {  	v4 =	vmul.u32 $0x30, v61  }
0x53: {  	v3 =	vand.u32 $0x7, v3  }
0x54: {  	v3 =	vor.u32 v3, v4  }
0x55: {  	v4 =	vperm.xlane v3, v0;
	_ =	sdelay $0x1  }
0x56: {  	v4 =	vadd.s32 v1, v4;
	_ =	sdelay $0x3  }
0x57: {  	s11 =	simm.s32 $0x11200;
	v3 =	vperm.xlane v3, v2  }
0x58: {  	[tilespmem:s11], [sflag:$0x2] =	stream.indirect_vreg.gather [hbm4b:s2+s3], $0x80, v4, vm0, $0xb8;
	[tilespmem:$0x18A00] =	vst v63  }
0x59: {  	s12 =	simm.s32 $0x11A00;
	v3 =	vadd.s32 v1, v3  }
0x5a: {  	[tilespmem:s12], [sflag:$0x2] =	stream.indirect_vreg.gather [hbm4b:s7+s3], $0x80, v4, vm0, $0xb8;
	[tilespmem:$0x18A00] =	vst v63  }
0x5b: {  	s13 =	simm.s32 $0x12200  }
0x5c: {  	[tilespmem:s13], [sflag:$0x2] =	stream.indirect_vreg.gather [hbm4b:s8+s3], $0x80, v4, vm0, $0xb8;
	[tilespmem:$0x18A00] =	vst v63  }
0x5d: {  	s14 =	simm.s32 $0x12A00  }
0x5e: {  	[tilespmem:s14], [sflag:$0x2] =	stream.indirect_vreg.gather [hbm4b:s2+s3], $0x80, v3, vm0, $0xb8;
	[tilespmem:$0x18A00] =	vst v63  }
0x5f: {  	s15 =	simm.s32 $0x13200  }
0x60: {  	[tilespmem:s15], [sflag:$0x2] =	stream.indirect_vreg.gather [hbm4b:s7+s3], $0x80, v3, vm0, $0xb8;
	[tilespmem:$0x18A00] =	vst v63  }
0x61: {  	s16 =	simm.s32 $0x13A00  }
0x62: {  	[tilespmem:s16], [sflag:$0x2] =	stream.indirect_vreg.gather [hbm4b:s8+s3], $0x80, v3, vm0, $0xb8;
	[tilespmem:$0x18A00] =	vst v63  }
0x63: {  	v3 =	vld [tilespmem:$0x38];
	_ =	sdelay $0x4  }
0x64: {  	v62 =	vshrl.u32 v3, $0x3  }
0x65: {  	v4 =	vmul.u32 $0x30, v62  }
0x66: {  	v3 =	vand.u32 $0x7, v3  }
0x67: {  	v3 =	vor.u32 v3, v4  }
0x68: {  	v4 =	vperm.xlane v3, v0;
	_ =	sdelay $0x1  }
0x69: {  	v4 =	vadd.s32 v1, v4;
	_ =	sdelay $0x3  }
0x6a: {  	s17 =	simm.s32 $0x14200;
	v3 =	vperm.xlane v3, v2  }
0x6b: {  	[tilespmem:s17], [sflag:$0x2] =	stream.indirect_vreg.gather [hbm4b:s2+s3], $0x80, v4, vm0, $0xb8;
	[tilespmem:$0x18A00] =	vst v63  }
0x6c: {  	s18 =	simm.s32 $0x14A00;
	v3 =	vadd.s32 v1, v3  }
0x6d: {  	[tilespmem:s18], [sflag:$0x2] =	stream.indirect_vreg.gather [hbm4b:s7+s3], $0x80, v4, vm0, $0xb8;
	[tilespmem:$0x18A00] =	vst v63  }
0x6e: {  	s20 =	simm.s32 $0x15200  }
0x6f: {  	[tilespmem:s20], [sflag:$0x2] =	stream.indirect_vreg.gather [hbm4b:s8+s3], $0x80, v4, vm0, $0xb8;
	[tilespmem:$0x18A00] =	vst v63  }
0x70: {  	s25 =	simm.s32 $0x15A00  }
0x71: {  	[tilespmem:s25], [sflag:$0x2] =	stream.indirect_vreg.gather [hbm4b:s2+s3], $0x80, v3, vm0, $0xb8;
	[tilespmem:$0x18A00] =	vst v63  }
0x72: {  	s26 =	simm.s32 $0x16200  }
0x73: {  	[tilespmem:s26], [sflag:$0x2] =	stream.indirect_vreg.gather [hbm4b:s7+s3], $0x80, v3, vm0, $0xb8;
	[tilespmem:$0x18A00] =	vst v63  }
0x74: {  	s28 =	simm.s32 $0x16A00  }
0x75: {  	[tilespmem:s28], [sflag:$0x2] =	stream.indirect_vreg.gather [hbm4b:s8+s3], $0x80, v3, vm0, $0xb8;
	[tilespmem:$0x18A00] =	vst v63  }
0x76: {  	v3 =	vld.msk [tilespmem:$0x48], $0xff;
	_ =	sdelay $0x4  }
0x77: {  	v63 =	vshrl.u32 v3, $0x3  }
0x78: {  	v4 =	vmul.u32 $0x30, v63  }
0x79: {  	v3 =	vand.u32 $0x7, v3  }
0x7a: {  	v3 =	vor.u32 v3, v4  }
0x7b: {  	v3 =	vperm.xlane v3, v0;
	_ =	sdelay $0x1  }
0x7c: {  	v3 =	vadd.s32 v1, v3;
	_ =	sdelay $0x3  }
0x7d: {  	s29 =	simm.s32 $0x17200  }
0x7e: {  	[tilespmem:s29], [sflag:$0x2] =	stream.indirect_vreg.gather [hbm4b:s2+s3], $0x80, v3, vm0, $0xb8;
	[tilespmem:$0x18A00] =	vst v63  }
0x7f: {  	s30 =	simm.s32 $0x17A00  }
0x80: {  	[tilespmem:s30], [sflag:$0x2] =	stream.indirect_vreg.gather [hbm4b:s7+s3], $0x80, v3, vm0, $0xb8;
	[tilespmem:$0x18A00] =	vst v63  }
0x81: {  	s31 =	simm.s32 $0x18200;
	s6 =	simm.s32 $0x0  }
0x82: {  	[tilespmem:s31], [sflag:$0x2] =	stream.indirect_vreg.gather [hbm4b:s8+s3], $0x80, v3, vm0, $0xb8;
	[tilespmem:$0x18A00] =	vst v63  }
.LBB2_2:
0x83: {  	_ =	swait.ge [sflag:s19], $0x7800  }
0x84: {  	p0 =	seq.s32 s6, $0x0;
	[sflag:s19] =	ssyncset.done $0x0  }
0x85: {  	s0 =	simm.s32 @!p0 $0x3;
	[sflag:s19] =	ssyncadd.s32 $0xFFFF8800  }
0x86: {  	_ =	swait.ge @!p0 [sflag:s0], $0x4800  }
0x87: {  	[sflag:s0] =	ssyncset.done @!p0 $0x0  }
0x88: {  	s9 =	simm.s32 $0x0;
	s10 =	simm.s32 $0x0;
	[sflag:s0] =	ssyncadd.s32 @!p0 $0xFFFFB800  }
.LBB2_3:
0x89: {  	s0 =	sshll.u32 s10, $0x4;
	s1 =	simm.s32 $0x0  }
0x8a: {  	s16 =	sshll.u32 s10, $0x7;
	s26 =	sand.u32 $0x60, s0;
	s11 =	smul.u32 $0x1800, s1  }
0x8b: {  	s17 =	sand.u32 $0x200, s9;
	s25 =	sand.u32 $0x1C00, s16;
	s1 =	sor.u32 $0x80, s26  }
0x8c: {  	s14 =	sadd.s32 s25, s11;
	s18 =	sor.u32 s1, s17  }
0x8d: {  	s16 =	simm.s32 $0x0;
	s18 =	sor.u32 s14, s18  }
0x8e: {  	s28 =	sor.u32 $0x180, s26;
	s13 =	sor.u32 s26, s17;
	s11 =	sor.u32 $0x100, s26;
	v6 =	vld [tilespmem:s18+$0x9A00]  }
0x8f: {  	s16 =	smul.u32 $0x1800, s16;
	s0 =	sor.u32 s11, s17;
	s29 =	sor.u32 s14, s13  }
0x90: {  	s15 =	sor.u32 s28, s17;
	s13 =	simm.s32 $0x200;
	v4 =	vld [tilespmem:s29+$0x9A00];
	s30 =	sor.u32 s14, s0  }
0x91: {  	s12 =	simm.s32 $0x4;
	s31 =	sor.u32 s14, s15;
	s5 =	sand.u32 $0x200, s13;
	v5 =	vld [tilespmem:s30+$0x9A00]  }
0x92: {  	s14 =	sadd.s32 s25, s16;
	v3 =	vld [tilespmem:s31+$0x9A00];
	s20 =	sor.u32 s1, s5;
	s15 =	sor.u32 s28, s5  }
0x93: {  	s17 =	sor.u32 s26, s5;
	s16 =	sor.u32 s11, s5;
	s0 =	sor.u32 s14, s20;
	[tilespmem:s18+$0xA00] =	vst v6  }
.LBB2_4:
0x94: {  	s12 =	sadd.s32 $0x4, s12  }
0x95: {  	v6 =	vld [tilespmem:s0+$0x9A00];
	s5 =	sor.u32 s14, s15;
	[tilespmem:s29+$0xA00] =	vst v4;
	s29 =	sor.u32 s14, s17;
	p1 =	slt.u32 s12, $0x10  }
.Ltmp2:
0x96: {  	s15 =	sshrl.u32 s12, $0x3;
	v4 =	vld [tilespmem:s29+$0x9A00];
	[tilespmem:s30+$0xA00] =	vst v5;
	s30 =	sor.u32 s14, s16;
	(pc) =	sbr.rel @p1 .LBB2_4-.Ltmp2, $4  }
0x97: {  	s13 =	sadd.s32 $0x200, s13;
	s14 =	smul.u32 $0x1800, s15;
	v5 =	vld [tilespmem:s30+$0x9A00];
	[tilespmem:s31+$0xA00] =	vst v3  }
0x98: {  	s16 =	sand.u32 $0x200, s13;
	s31 =	smov.u32 s5;
	v3 =	vld [tilespmem:s5+$0x9A00]  }
0x99: {  	s15 =	sor.u32 s28, s16;
	s5 =	sor.u32 s1, s16;
	s14 =	sadd.s32 s25, s14  }
0x9a: {  	s17 =	sor.u32 s26, s16;
	s16 =	sor.u32 s11, s16;
	[tilespmem:s0+$0xA00] =	vst v6;
	s0 =	sor.u32 s14, s5  }
0x9b: {  	s1 =	simm.s32 $0x0;
	s5 =	sor.u32 s14, s17  }
0x9c: {  	v6 =	vld [tilespmem:s0+$0x9A00];
	s11 =	simm.s32 $0x0;
	s12 =	sor.u32 s14, s16;
	s1 =	smul.u32 $0x1800, s1  }
0x9d: {  	s28 =	sor.u32 $0x90, s26;
	s14 =	sor.u32 s14, s15;
	[tilespmem:s29+$0xA00] =	vst v4;
	s11 =	sand.u32 $0x200, s11;
	v4 =	vld [tilespmem:s12+$0x9A00]  }
0x9e: {  	s29 =	sor.u32 $0x10, s26;
	v7 =	vld [tilespmem:s5+$0x9A00];
	s20 =	sor.u32 s28, s11;
	s17 =	sadd.s32 s25, s1  }
0x9f: {  	s18 =	simm.s32 $0x0;
	[tilespmem:s30+$0xA00] =	vst v5;
	v5 =	vld [tilespmem:s14+$0x9A00];
	s30 =	sor.u32 $0x190, s26;
	s20 =	sor.u32 s17, s20  }
0xa0: {  	s18 =	smul.u32 $0x1800, s18;
	[tilespmem:s31+$0xA00] =	vst v3;
	s13 =	sor.u32 s29, s11;
	s1 =	sor.u32 $0x110, s26;
	v8 =	vld [tilespmem:s20+$0x9A00]  }
0xa1: {  	s26 =	sor.u32 s30, s11;
	s31 =	sor.u32 s1, s11;
	[tilespmem:s0+$0xA00] =	vst v6;
	s0 =	sor.u32 s17, s13  }
0xa2: {  	s13 =	simm.s32 $0x200;
	[tilespmem:s12+$0xA00] =	vst v4;
	s12 =	sor.u32 s17, s26;
	v3 =	vld [tilespmem:s0+$0x9A00];
	s26 =	sor.u32 s17, s31  }
0xa3: {  	s15 =	sadd.s32 s25, s18;
	[tilespmem:s5+$0xA00] =	vst v7;
	s17 =	sand.u32 $0x200, s13;
	v4 =	vld [tilespmem:s26+$0x9A00]  }
0xa4: {  	s11 =	simm.s32 $0x4;
	[tilespmem:s14+$0xA00] =	vst v5;
	s31 =	sor.u32 s28, s17;
	s16 =	sor.u32 s30, s17;
	v5 =	vld [tilespmem:s12+$0x9A00]  }
0xa5: {  	s18 =	sor.u32 s29, s17;
	s17 =	sor.u32 s1, s17;
	s14 =	sor.u32 s15, s31;
	[tilespmem:s20+$0xA00] =	vst v8  }
.LBB2_6:
0xa6: {  	s11 =	sadd.s32 $0x4, s11  }
0xa7: {  	v6 =	vld [tilespmem:s14+$0x9A00];
	s5 =	sor.u32 s15, s16;
	[tilespmem:s0+$0xA00] =	vst v3;
	s0 =	sor.u32 s15, s18;
	p1 =	slt.u32 s11, $0x10  }
.Ltmp3:
0xa8: {  	s16 =	sshrl.u32 s11, $0x3;
	v3 =	vld [tilespmem:s0+$0x9A00];
	[tilespmem:s26+$0xA00] =	vst v4;
	s26 =	sor.u32 s15, s17;
	(pc) =	sbr.rel @p1 .LBB2_6-.Ltmp3, $4  }
0xa9: {  	s13 =	sadd.s32 $0x200, s13;
	s15 =	smul.u32 $0x1800, s16;
	v4 =	vld [tilespmem:s26+$0x9A00];
	[tilespmem:s12+$0xA00] =	vst v5  }
0xaa: {  	s17 =	sand.u32 $0x200, s13;
	s12 =	smov.u32 s5;
	v5 =	vld [tilespmem:s5+$0x9A00]  }
0xab: {  	s16 =	sor.u32 s30, s17;
	s5 =	sor.u32 s28, s17;
	s15 =	sadd.s32 s25, s15  }
0xac: {  	s18 =	sor.u32 s29, s17;
	s17 =	sor.u32 s1, s17;
	[tilespmem:s14+$0xA00] =	vst v6;
	s14 =	sor.u32 s15, s5  }
0xad: {  	s1 =	sor.u32 s15, s18;
	v6 =	vld [tilespmem:s14+$0x9A00]  }
0xae: {  	s5 =	sor.u32 s15, s17;
	v7 =	vld [tilespmem:s1+$0x9A00]  }
0xaf: {  	s11 =	sor.u32 s15, s16;
	[tilespmem:s0+$0xA00] =	vst v3;
	v3 =	vld [tilespmem:s5+$0x9A00]  }
0xb0: {  	p1 =	slt.u32 s10, $0x2E;
	[tilespmem:s26+$0xA00] =	vst v4;
	v63 =	vld [tilespmem:s11+$0x9A00]  }
.Ltmp4:
0xb1: {  	[tilespmem:s12+$0xA00] =	vst v5;
	(pc) =	sbr.rel @p1 .LBB2_3-.Ltmp4, $4  }
0xb2: {  	[tilespmem:s14+$0xA00] =	vst v6  }
0xb3: {  	[tilespmem:s1+$0xA00] =	vst v7  }
0xb4: {  	s31 =	sadd.s32 $0x2, s10;
	[tilespmem:s5+$0xA00] =	vst v3  }
0xb5: {  	s10 =	smov.u32 s31;
	[tilespmem:s11+$0xA00] =	vst v63  }
0xb6: {  	s0 =	sshll.u32 s6, $0x2;
	s1 =	rddreg [dreg:$0x3]  }
0xb7: {  	s9 =	sor.u32 s1, s0  }
0xb8: {  	s0 =	smul.u32 $0x900, s9;
	_ =	sdelay $0x1  }
0xb9: {  	s31 =	simm.s32 $0xA00;
	s0 =	sadd.s32 s4, s0  }
0xba: {  	[hbm4b:s0+s3] =	stream.linear.scatter [tilespmem:s31], [sflag:$0x3], $0x4800, $0x38;
	[tilespmem:$0x18A00] =	vst v63  }
0xbb: {  	s0 =	simm.s32 @!p0 $0x4  }
0xbc: {  	_ =	swait.ge @!p0 [sflag:s0], $0x4800  }
0xbd: {  	[sflag:s0] =	ssyncset.done @!p0 $0x0  }
0xbe: {  	s10 =	simm.s32 $0x0;
	[sflag:s0] =	ssyncadd.s32 @!p0 $0xFFFFB800  }
.LBB2_9:
0xbf: {  	s0 =	sshll.u32 s10, $0x4  }
0xc0: {  	s1 =	sshll.u32 s10, $0x7;
	s18 =	simm.s32 $0xB80;
	s20 =	simm.s32 $0xA00  }
0xc1: {  	s5 =	simm.s32 $0xB00;
	s11 =	simm.s32 $0x0;
	s12 =	simm.s32 $0x2  }
0xc2: {  	s13 =	simm.s32 $0x2;
	s15 =	simm.s32 $0x2;
	s11 =	smul.u32 $0x6000, s11  }
0xc3: {  	s14 =	simm.s32 $0x2;
	s16 =	simm.s32 $0xA80;
	s15 =	smul.u32 $0x6000, s15  }
0xc4: {  	s28 =	sand.u32 $0x60, s0;
	s17 =	sand.u32 $0x1C00, s1;
	s13 =	smul.u32 $0x6000, s13  }
0xc5: {  	s0 =	sand.u32 $0x380, s18;
	s16 =	sand.u32 $0x280, s16;
	s12 =	smul.u32 $0x6000, s12;
	v3 =	vmov s28  }
0xc6: {  	s1 =	sand.u32 $0x200, s20;
	s5 =	sand.u32 $0x300, s5;
	s14 =	smul.u32 $0x6000, s14  }
0xc7: {  	s25 =	sadd.s32 $0x9A00, s17;
	s26 =	sadd.s32 $0x5200, s17;
	s15 =	sshra.s32 s15, $0x2  }
0xc8: {  	s17 =	simm.s32 $0x0;
	s13 =	sshra.s32 s13, $0x2;
	s15 =	sadd.s32 s15, s25  }
0xc9: {  	s12 =	sshra.s32 s12, $0x2;
	s13 =	sadd.s32 s13, s25;
	s0 =	sadd.s32 s0, s15  }
0xca: {  	s14 =	sshra.s32 s14, $0x2;
	s12 =	sadd.s32 s12, s25;
	s5 =	sadd.s32 s5, s13;
	v8 =	vld.idx.msk [tilespmem:v3+s0+$0x0 ss:$0x1], $0xffff  }
0xcb: {  	s11 =	sshra.s32 s11, $0x2;
	s13 =	sadd.s32 s1, s12;
	s15 =	sadd.s32 s14, s25;
	v7 =	vld.idx.msk [tilespmem:v3+s5+$0x0 ss:$0x1], $0xffff  }
0xcc: {  	s20 =	sand.u32 $0x200, s17;
	s11 =	sadd.s32 s11, s26;
	s18 =	sadd.s32 s16, s15;
	v6 =	vld.idx.msk [tilespmem:v3+s13+$0x0 ss:$0x1], $0xffff  }
0xcd: {  	s30 =	simm.s32 $0x0;
	s31 =	simm.s32 $0xD80;
	s29 =	sadd.s32 s20, s11;
	v5 =	vld.idx.msk [tilespmem:v3+s18+$0x0 ss:$0x1], $0xffff  }
.LBB2_10:
0xce: {  	s0 =	sadd.s32 $0xFFFFFE80, s31;
	s1 =	sadd.s32 $0xFFFFFF80, s31;
	s5 =	sand.u32 $0x380, s31  }
0xcf: {  	s11 =	smov.u32 s30;
	s30 =	sadd.s32 $0x4, s30;
	s16 =	sadd.s32 $0xFFFFFF00, s31  }
0xd0: {  	s12 =	sadd.s32 $0x1A, s11;
	s13 =	sadd.s32 $0x1B, s11;
	[tilespmem:v3+s29+$0x180 ss:$0x1] =	vst.idx.msk $0xffff, v8;
	s14 =	sadd.s32 $0x18, s11  }
0xd1: {  	s15 =	sshrl.u32 s30, $0x3;
	s11 =	sadd.s32 $0x19, s11;
	[tilespmem:v3+s29+$0x100 ss:$0x1] =	vst.idx.msk $0xffff, v7;
	s14 =	sshrl.u32 s14, $0x3  }
0xd2: {  	s15 =	smul.u32 $0x6000, s15;
	s12 =	sshrl.u32 s12, $0x3;
	s13 =	sshrl.u32 s13, $0x3;
	[tilespmem:v3+s29+$0x0 ss:$0x1] =	vst.idx.msk $0xffff, v6  }
0xd3: {  	s16 =	sand.u32 $0x280, s16;
	s11 =	sshrl.u32 s11, $0x3;
	s13 =	smul.u32 $0x6000, s13;
	[tilespmem:v3+s29+$0x80 ss:$0x1] =	vst.idx.msk $0xffff, v5  }
0xd4: {  	s0 =	sand.u32 $0x200, s0;
	s12 =	smul.u32 $0x6000, s12;
	s15 =	sshra.s32 s15, $0x2  }
0xd5: {  	s1 =	sand.u32 $0x300, s1;
	s14 =	smul.u32 $0x6000, s14;
	s15 =	sadd.s32 s15, s26  }
0xd6: {  	p0 =	slt.u32 s30, $0x10;
	s11 =	smul.u32 $0x6000, s11;
	s13 =	sshra.s32 s13, $0x2  }
0xd7: {  	s12 =	sshra.s32 s12, $0x2;
	s14 =	sshra.s32 s14, $0x2;
	s13 =	sadd.s32 s13, s25  }
0xd8: {  	s11 =	sshra.s32 s11, $0x2;
	s12 =	sadd.s32 s12, s25;
	s5 =	sadd.s32 s5, s13  }
.Ltmp5:
0xd9: {  	s13 =	sadd.s32 s14, s25;
	s1 =	sadd.s32 s1, s12;
	v8 =	vld.idx.msk [tilespmem:v3+s5+$0x0 ss:$0x1], $0xffff;
	(pc) =	sbr.rel @p0 .LBB2_10-.Ltmp5, $4  }
0xda: {  	s0 =	sadd.s32 s0, s13;
	s5 =	sadd.s32 s11, s25;
	v7 =	vld.idx.msk [tilespmem:v3+s1+$0x0 ss:$0x1], $0xffff  }
0xdb: {  	s1 =	sadd.s32 s16, s5;
	v6 =	vld.idx.msk [tilespmem:v3+s0+$0x0 ss:$0x1], $0xffff;
	s0 =	sadd.s32 $0xFFFFF480, s31  }
0xdc: {  	s0 =	sand.u32 $0x200, s0;
	v5 =	vld.idx.msk [tilespmem:v3+s1+$0x0 ss:$0x1], $0xffff  }
0xdd: {  	s31 =	sadd.s32 $0x200, s31;
	s29 =	sadd.s32 s0, s15  }
0xde: {  	s0 =	sor.u32 $0x10, s28;
	s1 =	simm.s32 $0xB80  }
0xdf: {  	s5 =	simm.s32 $0xA00;
	s11 =	simm.s32 $0xB00;
	s12 =	simm.s32 $0x0  }
0xe0: {  	s13 =	simm.s32 $0x2;
	s14 =	simm.s32 $0x2;
	s15 =	simm.s32 $0x2  }
0xe1: {  	s16 =	simm.s32 $0x2;
	s17 =	simm.s32 $0xA80;
	s12 =	smul.u32 $0x6000, s12  }
0xe2: {  	s30 =	simm.s32 $0x0;
	s1 =	sand.u32 $0x380, s1;
	v4 =	vmov s0;
	s16 =	smul.u32 $0x6000, s16  }
0xe3: {  	s0 =	sand.u32 $0x280, s17;
	s5 =	sand.u32 $0x200, s5;
	s14 =	smul.u32 $0x6000, s14  }
0xe4: {  	s13 =	smul.u32 $0x6000, s13;
	s11 =	sand.u32 $0x300, s11;
	s16 =	sshra.s32 s16, $0x2  }
0xe5: {  	s15 =	smul.u32 $0x6000, s15;
	s14 =	sshra.s32 s14, $0x2;
	s16 =	sadd.s32 s16, s25  }
0xe6: {  	s13 =	sshra.s32 s13, $0x2;
	s14 =	sadd.s32 s14, s25;
	s1 =	sadd.s32 s1, s16  }
0xe7: {  	[tilespmem:v3+s29+$0x180 ss:$0x1] =	vst.idx.msk $0xffff, v8;
	s15 =	sshra.s32 s15, $0x2;
	s13 =	sadd.s32 s13, s25;
	s11 =	sadd.s32 s11, s14;
	v8 =	vld.idx.msk [tilespmem:v4+s1+$0x0 ss:$0x1], $0xffff  }
0xe8: {  	[tilespmem:v3+s29+$0x100 ss:$0x1] =	vst.idx.msk $0xffff, v7;
	s12 =	sshra.s32 s12, $0x2;
	s20 =	sadd.s32 s15, s25;
	s18 =	sadd.s32 s5, s13;
	v7 =	vld.idx.msk [tilespmem:v4+s11+$0x0 ss:$0x1], $0xffff  }
0xe9: {  	s31 =	sand.u32 $0x200, s30;
	[tilespmem:v3+s29+$0x0 ss:$0x1] =	vst.idx.msk $0xffff, v6;
	s12 =	sadd.s32 s12, s26;
	s0 =	sadd.s32 s0, s20;
	v6 =	vld.idx.msk [tilespmem:v4+s18+$0x0 ss:$0x1], $0xffff  }
0xea: {  	s28 =	simm.s32 $0x0;
	[tilespmem:v3+s29+$0x80 ss:$0x1] =	vst.idx.msk $0xffff, v5;
	s29 =	simm.s32 $0xD80;
	v3 =	vld.idx.msk [tilespmem:v4+s0+$0x0 ss:$0x1], $0xffff;
	s0 =	sadd.s32 s31, s12  }
.LBB2_12:
0xeb: {  	s1 =	sadd.s32 $0xFFFFFE80, s29;
	s5 =	sadd.s32 $0xFFFFFF80, s29;
	s11 =	sand.u32 $0x380, s29  }
0xec: {  	s12 =	smov.u32 s28;
	s28 =	sadd.s32 $0x4, s28;
	s17 =	sadd.s32 $0xFFFFFF00, s29  }
0xed: {  	s13 =	sadd.s32 $0x1A, s12;
	s14 =	sadd.s32 $0x1B, s12;
	[tilespmem:v4+s0+$0x180 ss:$0x1] =	vst.idx.msk $0xffff, v8;
	s15 =	sadd.s32 $0x18, s12  }
0xee: {  	s16 =	sshrl.u32 s28, $0x3;
	s12 =	sadd.s32 $0x19, s12;
	[tilespmem:v4+s0+$0x100 ss:$0x1] =	vst.idx.msk $0xffff, v7;
	s15 =	sshrl.u32 s15, $0x3  }
0xef: {  	s16 =	smul.u32 $0x6000, s16;
	s13 =	sshrl.u32 s13, $0x3;
	s14 =	sshrl.u32 s14, $0x3;
	[tilespmem:v4+s0+$0x0 ss:$0x1] =	vst.idx.msk $0xffff, v6  }
0xf0: {  	s1 =	sand.u32 $0x200, s1;
	s12 =	sshrl.u32 s12, $0x3;
	s14 =	smul.u32 $0x6000, s14;
	[tilespmem:v4+s0+$0x80 ss:$0x1] =	vst.idx.msk $0xffff, v3  }
0xf1: {  	s13 =	smul.u32 $0x6000, s13;
	s0 =	sshra.s32 s16, $0x2;
	s16 =	sand.u32 $0x280, s17  }
0xf2: {  	s5 =	sand.u32 $0x300, s5;
	s15 =	smul.u32 $0x6000, s15;
	s0 =	sadd.s32 s0, s26  }
0xf3: {  	p0 =	slt.u32 s28, $0x10;
	s12 =	smul.u32 $0x6000, s12;
	s14 =	sshra.s32 s14, $0x2  }
0xf4: {  	s13 =	sshra.s32 s13, $0x2;
	s15 =	sshra.s32 s15, $0x2;
	s14 =	sadd.s32 s14, s25  }
0xf5: {  	s12 =	sshra.s32 s12, $0x2;
	s13 =	sadd.s32 s13, s25;
	s11 =	sadd.s32 s11, s14  }
.Ltmp6:
0xf6: {  	s14 =	sadd.s32 s15, s25;
	s5 =	sadd.s32 s5, s13;
	v8 =	vld.idx.msk [tilespmem:v4+s11+$0x0 ss:$0x1], $0xffff;
	(pc) =	sbr.rel @p0 .LBB2_12-.Ltmp6, $4  }
0xf7: {  	s1 =	sadd.s32 s1, s14;
	s11 =	sadd.s32 s12, s25;
	v7 =	vld.idx.msk [tilespmem:v4+s5+$0x0 ss:$0x1], $0xffff  }
0xf8: {  	s5 =	sadd.s32 s16, s11;
	v6 =	vld.idx.msk [tilespmem:v4+s1+$0x0 ss:$0x1], $0xffff;
	s1 =	sadd.s32 $0xFFFFF480, s29  }
0xf9: {  	s1 =	sand.u32 $0x200, s1;
	v3 =	vld.idx.msk [tilespmem:v4+s5+$0x0 ss:$0x1], $0xffff  }
0xfa: {  	s29 =	sadd.s32 $0x200, s29;
	s0 =	sadd.s32 s1, s0  }
0xfb: {  	_ =	sdelay $0x1  }
0xfc: {  	p0 =	slt.u32 s10, $0x2E  }
.Ltmp7:
0xfd: {  	_ = 	snop;
	(pc) =	sbr.rel @p0 .LBB2_9-.Ltmp7, $4  }
0xfe: {  	[tilespmem:v4+s0+$0x180 ss:$0x1] =	vst.idx.msk $0xffff, v8  }
0xff: {  	[tilespmem:v4+s0+$0x100 ss:$0x1] =	vst.idx.msk $0xffff, v7  }
0x100: {  	s1 =	sadd.s32 $0x2, s10;
	[tilespmem:v4+s0+$0x0 ss:$0x1] =	vst.idx.msk $0xffff, v6  }
0x101: {  	s10 =	smov.u32 s1;
	[tilespmem:v4+s0+$0x80 ss:$0x1] =	vst.idx.msk $0xffff, v3  }
0x102: {  	s0 =	smul.u32 $0x4800, s9;
	_ =	sdelay $0x1  }
0x103: {  	s0 =	sshrl.u32 s0, $0x3  }
0x104: {  	p0 =	seq.s32 s6, $0x1F;
	s0 =	sadd.s32 s4, s0  }
0x105: {  	s1 =	smul.u32 @!p0 $0x140, s6;
	s0 =	sadd.s32 $0x900, s0  }
0x106: {  	[hbm4b:s0+s3] =	stream.linear.scatter [tilespmem:s21], [sflag:$0x4], $0x4800, $0x38;
	[tilespmem:$0x18A00] =	vst v63  }
0x107: {  	s0 =	sshra.s32 @!p0 s1, $0x2  }
0x108: {  	v3 =	vld @!p0 [tilespmem:s0+$0x50];
	_ =	sdelay $0x4  }
0x109: {  	v4 =	vshrl.u32 @!p0 v3, $0x3  }
0x10a: {  	v4 =	vmul.u32 @!p0 $0x30, v4  }
0x10b: {  	v5 =	vlaneseq.u32 @!p0;
	v3 =	vand.u32 @!p0 $0x7, v3  }
0x10c: {  	v6 =	vshrl.u32 @!p0 v5, $0x3;
	v3 =	vor.u32 @!p0 v3, v4;
	v4 =	vand.u32 @!p0 $0x7, v5  }
0x10d: {  	v6 =	vmul.u32 @!p0 $0x8, v6;
	v7 =	vperm.xlane @!p0 v3, v4;
	_ =	sdelay $0x1  }
0x10e: {  	v7 =	vadd.s32 @!p0 v6, v7;
	_ =	sdelay $0x2  }
0x10f: {  	v5 =	vor.u32 @!p0 $0x8, v5  }
0x110: {  	vm1 =	vmmov @!p0 $0xffff;
	s5 =	simm.s32 @!p0 $0x9A00;
	s1 =	simm.s32 @!p0 $0x0;
	v3 =	vperm.xlane @!p0 v3, v5  }
0x111: {  	[tilespmem:s5], [sflag:$0x1] =	stream.indirect_vreg.gather @!p0 [hbm4b:s2+s1], $0x80, v7, vm1, $0xb8;
	[tilespmem:$0x18A00] =	vst v63  }
0x112: {  	v3 =	vadd.s32 @!p0 v6, v3;
	s5 =	simm.s32 @!p0 $0xA200  }
0x113: {  	[tilespmem:s5], [sflag:$0x1] =	stream.indirect_vreg.gather @!p0 [hbm4b:s7+s1], $0x80, v7, vm1, $0xb8;
	[tilespmem:$0x18A00] =	vst v63  }
0x114: {  	s5 =	simm.s32 @!p0 $0xAA00  }
0x115: {  	[tilespmem:s5], [sflag:$0x1] =	stream.indirect_vreg.gather @!p0 [hbm4b:s8+s1], $0x80, v7, vm1, $0xb8;
	[tilespmem:$0x18A00] =	vst v63  }
0x116: {  	s5 =	simm.s32 @!p0 $0xB200  }
0x117: {  	[tilespmem:s5], [sflag:$0x1] =	stream.indirect_vreg.gather @!p0 [hbm4b:s2+s1], $0x80, v3, vm1, $0xb8;
	[tilespmem:$0x18A00] =	vst v63  }
0x118: {  	s5 =	simm.s32 @!p0 $0xBA00  }
0x119: {  	[tilespmem:s5], [sflag:$0x1] =	stream.indirect_vreg.gather @!p0 [hbm4b:s7+s1], $0x80, v3, vm1, $0xb8;
	[tilespmem:$0x18A00] =	vst v63  }
0x11a: {  	s5 =	simm.s32 @!p0 $0xC200  }
0x11b: {  	[tilespmem:s5], [sflag:$0x1] =	stream.indirect_vreg.gather @!p0 [hbm4b:s8+s1], $0x80, v3, vm1, $0xb8;
	[tilespmem:$0x18A00] =	vst v63  }
0x11c: {  	v3 =	vld @!p0 [tilespmem:s0+$0x60];
	_ =	sdelay $0x4  }
0x11d: {  	v7 =	vshrl.u32 @!p0 v3, $0x3  }
0x11e: {  	v7 =	vmul.u32 @!p0 $0x30, v7  }
0x11f: {  	v3 =	vand.u32 @!p0 $0x7, v3  }
0x120: {  	v3 =	vor.u32 @!p0 v3, v7  }
0x121: {  	v7 =	vperm.xlane @!p0 v3, v4;
	_ =	sdelay $0x1  }
0x122: {  	v7 =	vadd.s32 @!p0 v6, v7;
	_ =	sdelay $0x3  }
0x123: {  	s5 =	simm.s32 @!p0 $0xCA00;
	v3 =	vperm.xlane @!p0 v3, v5  }
0x124: {  	[tilespmem:s5], [sflag:$0x1] =	stream.indirect_vreg.gather @!p0 [hbm4b:s2+s1], $0x80, v7, vm1, $0xb8;
	[tilespmem:$0x18A00] =	vst v63  }
0x125: {  	v3 =	vadd.s32 @!p0 v6, v3;
	s5 =	simm.s32 @!p0 $0xD200  }
0x126: {  	[tilespmem:s5], [sflag:$0x1] =	stream.indirect_vreg.gather @!p0 [hbm4b:s7+s1], $0x80, v7, vm1, $0xb8;
	[tilespmem:$0x18A00] =	vst v63  }
0x127: {  	s5 =	simm.s32 @!p0 $0xDA00  }
0x128: {  	[tilespmem:s5], [sflag:$0x1] =	stream.indirect_vreg.gather @!p0 [hbm4b:s8+s1], $0x80, v7, vm1, $0xb8;
	[tilespmem:$0x18A00] =	vst v63  }
0x129: {  	s5 =	simm.s32 @!p0 $0xE200  }
0x12a: {  	[tilespmem:s5], [sflag:$0x1] =	stream.indirect_vreg.gather @!p0 [hbm4b:s2+s1], $0x80, v3, vm1, $0xb8;
	[tilespmem:$0x18A00] =	vst v63  }
0x12b: {  	s5 =	simm.s32 @!p0 $0xEA00  }
0x12c: {  	[tilespmem:s5], [sflag:$0x1] =	stream.indirect_vreg.gather @!p0 [hbm4b:s7+s1], $0x80, v3, vm1, $0xb8;
	[tilespmem:$0x18A00] =	vst v63  }
0x12d: {  	s5 =	simm.s32 @!p0 $0xF200  }
0x12e: {  	[tilespmem:s5], [sflag:$0x1] =	stream.indirect_vreg.gather @!p0 [hbm4b:s8+s1], $0x80, v3, vm1, $0xb8;
	[tilespmem:$0x18A00] =	vst v63  }
0x12f: {  	v3 =	vld.msk @!p0 [tilespmem:s0+$0x70], $0xff;
	_ =	sdelay $0x4  }
0x130: {  	v5 =	vshrl.u32 @!p0 v3, $0x3  }
0x131: {  	v5 =	vmul.u32 @!p0 $0x30, v5  }
0x132: {  	v3 =	vand.u32 @!p0 $0x7, v3  }
0x133: {  	v3 =	vor.u32 @!p0 v3, v5  }
0x134: {  	v3 =	vperm.xlane @!p0 v3, v4;
	_ =	sdelay $0x1  }
0x135: {  	v3 =	vadd.s32 @!p0 v6, v3;
	_ =	sdelay $0x3  }
0x136: {  	s0 =	simm.s32 @!p0 $0xFA00  }
0x137: {  	[tilespmem:s0], [sflag:$0x1] =	stream.indirect_vreg.gather @!p0 [hbm4b:s2+s1], $0x80, v3, vm1, $0xb8;
	[tilespmem:$0x18A00] =	vst v63  }
0x138: {  	s0 =	simm.s32 @!p0 $0x10200  }
0x139: {  	[tilespmem:s0], [sflag:$0x1] =	stream.indirect_vreg.gather @!p0 [hbm4b:s7+s1], $0x80, v3, vm1, $0xb8;
	[tilespmem:$0x18A00] =	vst v63  }
0x13a: {  	s0 =	simm.s32 @!p0 $0x10A00  }
0x13b: {  	[tilespmem:s0], [sflag:$0x1] =	stream.indirect_vreg.gather @!p0 [hbm4b:s8+s1], $0x80, v3, vm1, $0xb8;
	[tilespmem:$0x18A00] =	vst v63  }
0x13c: {  	_ =	swait.ge [sflag:s22], $0x7800  }
0x13d: {  	[sflag:s22] =	ssyncset.done $0x0  }
0x13e: {  	[sflag:s22] =	ssyncadd.s32 $0xFFFF8800  }
0x13f: {  	_ =	swait.ge [sflag:s23], $0x4800  }
0x140: {  	[sflag:s23] =	ssyncset.done $0x0  }
0x141: {  	s10 =	simm.s32 $0x0;
	s25 =	simm.s32 $0x0;
	[sflag:s23] =	ssyncadd.s32 $0xFFFFB800  }
.LBB2_15:
0x142: {  	s0 =	sshll.u32 s25, $0x4;
	s1 =	simm.s32 $0x0  }
0x143: {  	s12 =	sshll.u32 s25, $0x7;
	s28 =	sand.u32 $0x60, s0;
	s1 =	smul.u32 $0x1800, s1  }
0x144: {  	s13 =	sand.u32 $0x200, s10;
	s26 =	sand.u32 $0x1C00, s12;
	s29 =	sor.u32 $0x80, s28  }
0x145: {  	s5 =	sadd.s32 s26, s1;
	s15 =	sor.u32 s29, s13  }
0x146: {  	s11 =	sor.u32 $0x180, s28;
	s20 =	sor.u32 s5, s15  }
0x147: {  	s12 =	sor.u32 $0x100, s28;
	s14 =	sor.u32 s28, s13;
	s16 =	sor.u32 s11, s13;
	v6 =	vld [tilespmem:s20+$0x11200]  }
0x148: {  	s0 =	sor.u32 s12, s13;
	s15 =	simm.s32 $0x0;
	s30 =	sor.u32 s5, s14  }
0x149: {  	s14 =	simm.s32 $0x200;
	s31 =	sor.u32 s5, s0;
	s15 =	smul.u32 $0x1800, s15;
	v4 =	vld [tilespmem:s30+$0x11200]  }
0x14a: {  	s13 =	simm.s32 $0x4;
	s1 =	sor.u32 s5, s16;
	s5 =	sand.u32 $0x200, s14;
	v5 =	vld [tilespmem:s31+$0x11200]  }
0x14b: {  	v3 =	vld [tilespmem:s1+$0x11200];
	s17 =	sor.u32 s29, s5;
	s16 =	sor.u32 s11, s5;
	s15 =	sadd.s32 s26, s15  }
0x14c: {  	s18 =	sor.u32 s28, s5;
	s0 =	sor.u32 s15, s17;
	s17 =	sor.u32 s12, s5;
	[tilespmem:s20+$0xA00] =	vst v6  }
.LBB2_16:
0x14d: {  	s13 =	sadd.s32 $0x4, s13  }
0x14e: {  	v6 =	vld [tilespmem:s0+$0x11200];
	s5 =	sor.u32 s15, s16;
	[tilespmem:s30+$0xA00] =	vst v4;
	s30 =	sor.u32 s15, s18;
	p1 =	slt.u32 s13, $0x10  }
.Ltmp8:
0x14f: {  	s16 =	sshrl.u32 s13, $0x3;
	v4 =	vld [tilespmem:s30+$0x11200];
	[tilespmem:s31+$0xA00] =	vst v5;
	s31 =	sor.u32 s15, s17;
	(pc) =	sbr.rel @p1 .LBB2_16-.Ltmp8, $4  }
0x150: {  	s14 =	sadd.s32 $0x200, s14;
	s15 =	smul.u32 $0x1800, s16;
	v5 =	vld [tilespmem:s31+$0x11200];
	[tilespmem:s1+$0xA00] =	vst v3  }
0x151: {  	s17 =	sand.u32 $0x200, s14;
	s1 =	smov.u32 s5;
	v3 =	vld [tilespmem:s5+$0x11200]  }
0x152: {  	s16 =	sor.u32 s11, s17;
	s5 =	sor.u32 s29, s17;
	s15 =	sadd.s32 s26, s15  }
0x153: {  	s18 =	sor.u32 s28, s17;
	s17 =	sor.u32 s12, s17;
	[tilespmem:s0+$0xA00] =	vst v6;
	s0 =	sor.u32 s15, s5  }
0x154: {  	s5 =	simm.s32 $0x0  }
0x155: {  	s12 =	sor.u32 s15, s18;
	v6 =	vld [tilespmem:s0+$0x11200];
	s11 =	simm.s32 $0x0;
	s5 =	smul.u32 $0x1800, s5  }
0x156: {  	s14 =	sor.u32 s15, s17;
	s29 =	sor.u32 $0x90, s28;
	v7 =	vld [tilespmem:s12+$0x11200];
	s11 =	sand.u32 $0x200, s11  }
0x157: {  	s15 =	sor.u32 s15, s16;
	[tilespmem:s30+$0xA00] =	vst v4;
	v4 =	vld [tilespmem:s14+$0x11200];
	s13 =	sor.u32 s29, s11;
	s5 =	sadd.s32 s26, s5  }
0x158: {  	s30 =	sor.u32 $0x10, s28;
	s18 =	simm.s32 $0x0;
	[tilespmem:s31+$0xA00] =	vst v5;
	v5 =	vld [tilespmem:s15+$0x11200];
	s20 =	sor.u32 s5, s13  }
0x159: {  	s31 =	sor.u32 $0x190, s28;
	[tilespmem:s1+$0xA00] =	vst v3;
	s1 =	sor.u32 $0x110, s28;
	s13 =	sor.u32 s30, s11;
	v8 =	vld [tilespmem:s20+$0x11200]  }
0x15a: {  	s18 =	smul.u32 $0x1800, s18;
	s17 =	sor.u32 s1, s11;
	[tilespmem:s0+$0xA00] =	vst v6;
	s0 =	sor.u32 s5, s13  }
0x15b: {  	s16 =	sor.u32 s31, s11;
	s28 =	sor.u32 s5, s17;
	s13 =	simm.s32 $0x200;
	[tilespmem:s12+$0xA00] =	vst v7;
	v3 =	vld [tilespmem:s0+$0x11200]  }
0x15c: {  	s11 =	simm.s32 $0x4;
	[tilespmem:s14+$0xA00] =	vst v4;
	s12 =	sor.u32 s5, s16;
	s5 =	sand.u32 $0x200, s13;
	v4 =	vld [tilespmem:s28+$0x11200]  }
0x15d: {  	[tilespmem:s15+$0xA00] =	vst v5;
	s15 =	sadd.s32 s26, s18;
	s17 =	sor.u32 s29, s5;
	s16 =	sor.u32 s31, s5;
	v5 =	vld [tilespmem:s12+$0x11200]  }
0x15e: {  	s18 =	sor.u32 s30, s5;
	s14 =	sor.u32 s15, s17;
	s17 =	sor.u32 s1, s5;
	[tilespmem:s20+$0xA00] =	vst v8  }
.LBB2_18:
0x15f: {  	s11 =	sadd.s32 $0x4, s11  }
0x160: {  	v6 =	vld [tilespmem:s14+$0x11200];
	s5 =	sor.u32 s15, s16;
	[tilespmem:s0+$0xA00] =	vst v3;
	s0 =	sor.u32 s15, s18;
	p1 =	slt.u32 s11, $0x10  }
.Ltmp9:
0x161: {  	s16 =	sshrl.u32 s11, $0x3;
	v3 =	vld [tilespmem:s0+$0x11200];
	[tilespmem:s28+$0xA00] =	vst v4;
	s28 =	sor.u32 s15, s17;
	(pc) =	sbr.rel @p1 .LBB2_18-.Ltmp9, $4  }
0x162: {  	s13 =	sadd.s32 $0x200, s13;
	s15 =	smul.u32 $0x1800, s16;
	v4 =	vld [tilespmem:s28+$0x11200];
	[tilespmem:s12+$0xA00] =	vst v5  }
0x163: {  	s17 =	sand.u32 $0x200, s13;
	s12 =	smov.u32 s5;
	v5 =	vld [tilespmem:s5+$0x11200]  }
0x164: {  	s16 =	sor.u32 s31, s17;
	s5 =	sor.u32 s29, s17;
	s15 =	sadd.s32 s26, s15  }
0x165: {  	s18 =	sor.u32 s30, s17;
	s17 =	sor.u32 s1, s17;
	[tilespmem:s14+$0xA00] =	vst v6;
	s14 =	sor.u32 s15, s5  }
0x166: {  	s1 =	sor.u32 s15, s18;
	v6 =	vld [tilespmem:s14+$0x11200]  }
0x167: {  	s5 =	sor.u32 s15, s17;
	v7 =	vld [tilespmem:s1+$0x11200]  }
0x168: {  	s11 =	sor.u32 s15, s16;
	[tilespmem:s0+$0xA00] =	vst v3;
	v3 =	vld [tilespmem:s5+$0x11200]  }
0x169: {  	p1 =	slt.u32 s25, $0x2E;
	[tilespmem:s28+$0xA00] =	vst v4;
	v63 =	vld [tilespmem:s11+$0x11200]  }
.Ltmp10:
0x16a: {  	[tilespmem:s12+$0xA00] =	vst v5;
	(pc) =	sbr.rel @p1 .LBB2_15-.Ltmp10, $4  }
0x16b: {  	[tilespmem:s14+$0xA00] =	vst v6  }
0x16c: {  	[tilespmem:s1+$0xA00] =	vst v7  }
0x16d: {  	s31 =	sadd.s32 $0x2, s25;
	[tilespmem:s5+$0xA00] =	vst v3  }
0x16e: {  	s25 =	smov.u32 s31;
	[tilespmem:s11+$0xA00] =	vst v63  }
0x16f: {  	s9 =	sor.u32 $0x2, s9  }
0x170: {  	s0 =	smul.u32 $0x900, s9;
	_ =	sdelay $0x1  }
0x171: {  	s10 =	simm.s32 $0x0;
	s1 =	simm.s32 $0xA00;
	s0 =	sadd.s32 s4, s0  }
0x172: {  	[hbm4b:s0+s10] =	stream.linear.scatter [tilespmem:s1], [sflag:$0x3], $0x4800, $0x38;
	[tilespmem:$0x18A00] =	vst v63  }
0x173: {  	_ =	swait.ge [sflag:s24], $0x4800  }
0x174: {  	[sflag:s24] =	ssyncset.done $0x0  }
0x175: {  	[sflag:s24] =	ssyncadd.s32 $0xFFFFB800  }
.LBB2_21:
0x176: {  	s0 =	sshll.u32 s10, $0x4  }
0x177: {  	s1 =	sshll.u32 s10, $0x7;
	s18 =	simm.s32 $0xB80;
	s20 =	simm.s32 $0xA00  }
0x178: {  	s5 =	simm.s32 $0xB00;
	s11 =	simm.s32 $0x0;
	s12 =	simm.s32 $0x2  }
0x179: {  	s13 =	simm.s32 $0x2;
	s15 =	simm.s32 $0x2;
	s11 =	smul.u32 $0x6000, s11  }
0x17a: {  	s14 =	simm.s32 $0x2;
	s16 =	simm.s32 $0xA80;
	s15 =	smul.u32 $0x6000, s15  }
0x17b: {  	s28 =	sand.u32 $0x60, s0;
	s17 =	sand.u32 $0x1C00, s1;
	s13 =	smul.u32 $0x6000, s13  }
0x17c: {  	s0 =	sand.u32 $0x380, s18;
	s16 =	sand.u32 $0x280, s16;
	s12 =	smul.u32 $0x6000, s12;
	v3 =	vmov s28  }
0x17d: {  	s1 =	sand.u32 $0x200, s20;
	s5 =	sand.u32 $0x300, s5;
	s14 =	smul.u32 $0x6000, s14  }
0x17e: {  	s25 =	sadd.s32 $0x11200, s17;
	s26 =	sadd.s32 $0x5200, s17;
	s15 =	sshra.s32 s15, $0x2  }
0x17f: {  	s17 =	simm.s32 $0x0;
	s13 =	sshra.s32 s13, $0x2;
	s15 =	sadd.s32 s15, s25  }
0x180: {  	s12 =	sshra.s32 s12, $0x2;
	s13 =	sadd.s32 s13, s25;
	s0 =	sadd.s32 s0, s15  }
0x181: {  	s14 =	sshra.s32 s14, $0x2;
	s12 =	sadd.s32 s12, s25;
	s5 =	sadd.s32 s5, s13;
	v8 =	vld.idx.msk [tilespmem:v3+s0+$0x0 ss:$0x1], $0xffff  }
0x182: {  	s11 =	sshra.s32 s11, $0x2;
	s13 =	sadd.s32 s1, s12;
	s15 =	sadd.s32 s14, s25;
	v7 =	vld.idx.msk [tilespmem:v3+s5+$0x0 ss:$0x1], $0xffff  }
0x183: {  	s20 =	sand.u32 $0x200, s17;
	s11 =	sadd.s32 s11, s26;
	s18 =	sadd.s32 s16, s15;
	v6 =	vld.idx.msk [tilespmem:v3+s13+$0x0 ss:$0x1], $0xffff  }
0x184: {  	s30 =	simm.s32 $0x0;
	s31 =	simm.s32 $0xD80;
	s29 =	sadd.s32 s20, s11;
	v5 =	vld.idx.msk [tilespmem:v3+s18+$0x0 ss:$0x1], $0xffff  }
.LBB2_22:
0x185: {  	s0 =	sadd.s32 $0xFFFFFE80, s31;
	s1 =	sadd.s32 $0xFFFFFF80, s31;
	s5 =	sand.u32 $0x380, s31  }
0x186: {  	s11 =	smov.u32 s30;
	s30 =	sadd.s32 $0x4, s30;
	s16 =	sadd.s32 $0xFFFFFF00, s31  }
0x187: {  	s12 =	sadd.s32 $0x1A, s11;
	s13 =	sadd.s32 $0x1B, s11;
	[tilespmem:v3+s29+$0x180 ss:$0x1] =	vst.idx.msk $0xffff, v8;
	s14 =	sadd.s32 $0x18, s11  }
0x188: {  	s15 =	sshrl.u32 s30, $0x3;
	s11 =	sadd.s32 $0x19, s11;
	[tilespmem:v3+s29+$0x100 ss:$0x1] =	vst.idx.msk $0xffff, v7;
	s14 =	sshrl.u32 s14, $0x3  }
0x189: {  	s15 =	smul.u32 $0x6000, s15;
	s12 =	sshrl.u32 s12, $0x3;
	s13 =	sshrl.u32 s13, $0x3;
	[tilespmem:v3+s29+$0x0 ss:$0x1] =	vst.idx.msk $0xffff, v6  }
0x18a: {  	s16 =	sand.u32 $0x280, s16;
	s11 =	sshrl.u32 s11, $0x3;
	s13 =	smul.u32 $0x6000, s13;
	[tilespmem:v3+s29+$0x80 ss:$0x1] =	vst.idx.msk $0xffff, v5  }
0x18b: {  	s0 =	sand.u32 $0x200, s0;
	s12 =	smul.u32 $0x6000, s12;
	s15 =	sshra.s32 s15, $0x2  }
0x18c: {  	s1 =	sand.u32 $0x300, s1;
	s14 =	smul.u32 $0x6000, s14;
	s15 =	sadd.s32 s15, s26  }
0x18d: {  	p1 =	slt.u32 s30, $0x10;
	s11 =	smul.u32 $0x6000, s11;
	s13 =	sshra.s32 s13, $0x2  }
0x18e: {  	s12 =	sshra.s32 s12, $0x2;
	s14 =	sshra.s32 s14, $0x2;
	s13 =	sadd.s32 s13, s25  }
0x18f: {  	s11 =	sshra.s32 s11, $0x2;
	s12 =	sadd.s32 s12, s25;
	s5 =	sadd.s32 s5, s13  }
.Ltmp11:
0x190: {  	s13 =	sadd.s32 s14, s25;
	s1 =	sadd.s32 s1, s12;
	v8 =	vld.idx.msk [tilespmem:v3+s5+$0x0 ss:$0x1], $0xffff;
	(pc) =	sbr.rel @p1 .LBB2_22-.Ltmp11, $4  }
0x191: {  	s0 =	sadd.s32 s0, s13;
	s5 =	sadd.s32 s11, s25;
	v7 =	vld.idx.msk [tilespmem:v3+s1+$0x0 ss:$0x1], $0xffff  }
0x192: {  	s1 =	sadd.s32 s16, s5;
	v6 =	vld.idx.msk [tilespmem:v3+s0+$0x0 ss:$0x1], $0xffff;
	s0 =	sadd.s32 $0xFFFFF480, s31  }
0x193: {  	s0 =	sand.u32 $0x200, s0;
	v5 =	vld.idx.msk [tilespmem:v3+s1+$0x0 ss:$0x1], $0xffff  }
0x194: {  	s31 =	sadd.s32 $0x200, s31;
	s29 =	sadd.s32 s0, s15  }
0x195: {  	s0 =	sor.u32 $0x10, s28;
	s1 =	simm.s32 $0xB80  }
0x196: {  	s5 =	simm.s32 $0xA00;
	s11 =	simm.s32 $0xB00;
	s12 =	simm.s32 $0x0  }
0x197: {  	s13 =	simm.s32 $0x2;
	s14 =	simm.s32 $0x2;
	s15 =	simm.s32 $0x2  }
0x198: {  	s16 =	simm.s32 $0x2;
	s17 =	simm.s32 $0xA80;
	s12 =	smul.u32 $0x6000, s12  }
0x199: {  	s30 =	simm.s32 $0x0;
	s1 =	sand.u32 $0x380, s1;
	v4 =	vmov s0;
	s16 =	smul.u32 $0x6000, s16  }
0x19a: {  	s0 =	sand.u32 $0x280, s17;
	s5 =	sand.u32 $0x200, s5;
	s14 =	smul.u32 $0x6000, s14  }
0x19b: {  	s13 =	smul.u32 $0x6000, s13;
	s11 =	sand.u32 $0x300, s11;
	s16 =	sshra.s32 s16, $0x2  }
0x19c: {  	s15 =	smul.u32 $0x6000, s15;
	s14 =	sshra.s32 s14, $0x2;
	s16 =	sadd.s32 s16, s25  }
0x19d: {  	s13 =	sshra.s32 s13, $0x2;
	s14 =	sadd.s32 s14, s25;
	s1 =	sadd.s32 s1, s16  }
0x19e: {  	[tilespmem:v3+s29+$0x180 ss:$0x1] =	vst.idx.msk $0xffff, v8;
	s15 =	sshra.s32 s15, $0x2;
	s13 =	sadd.s32 s13, s25;
	s11 =	sadd.s32 s11, s14;
	v8 =	vld.idx.msk [tilespmem:v4+s1+$0x0 ss:$0x1], $0xffff  }
0x19f: {  	[tilespmem:v3+s29+$0x100 ss:$0x1] =	vst.idx.msk $0xffff, v7;
	s12 =	sshra.s32 s12, $0x2;
	s20 =	sadd.s32 s15, s25;
	s18 =	sadd.s32 s5, s13;
	v7 =	vld.idx.msk [tilespmem:v4+s11+$0x0 ss:$0x1], $0xffff  }
0x1a0: {  	s31 =	sand.u32 $0x200, s30;
	[tilespmem:v3+s29+$0x0 ss:$0x1] =	vst.idx.msk $0xffff, v6;
	s12 =	sadd.s32 s12, s26;
	s0 =	sadd.s32 s0, s20;
	v6 =	vld.idx.msk [tilespmem:v4+s18+$0x0 ss:$0x1], $0xffff  }
0x1a1: {  	s28 =	simm.s32 $0x0;
	[tilespmem:v3+s29+$0x80 ss:$0x1] =	vst.idx.msk $0xffff, v5;
	s29 =	simm.s32 $0xD80;
	v3 =	vld.idx.msk [tilespmem:v4+s0+$0x0 ss:$0x1], $0xffff;
	s0 =	sadd.s32 s31, s12  }
.LBB2_24:
0x1a2: {  	s1 =	sadd.s32 $0xFFFFFE80, s29;
	s5 =	sadd.s32 $0xFFFFFF80, s29;
	s11 =	sand.u32 $0x380, s29  }
0x1a3: {  	s12 =	smov.u32 s28;
	s28 =	sadd.s32 $0x4, s28;
	s17 =	sadd.s32 $0xFFFFFF00, s29  }
0x1a4: {  	s13 =	sadd.s32 $0x1A, s12;
	s14 =	sadd.s32 $0x1B, s12;
	[tilespmem:v4+s0+$0x180 ss:$0x1] =	vst.idx.msk $0xffff, v8;
	s15 =	sadd.s32 $0x18, s12  }
0x1a5: {  	s16 =	sshrl.u32 s28, $0x3;
	s12 =	sadd.s32 $0x19, s12;
	[tilespmem:v4+s0+$0x100 ss:$0x1] =	vst.idx.msk $0xffff, v7;
	s15 =	sshrl.u32 s15, $0x3  }
0x1a6: {  	s16 =	smul.u32 $0x6000, s16;
	s13 =	sshrl.u32 s13, $0x3;
	s14 =	sshrl.u32 s14, $0x3;
	[tilespmem:v4+s0+$0x0 ss:$0x1] =	vst.idx.msk $0xffff, v6  }
0x1a7: {  	s1 =	sand.u32 $0x200, s1;
	s12 =	sshrl.u32 s12, $0x3;
	s14 =	smul.u32 $0x6000, s14;
	[tilespmem:v4+s0+$0x80 ss:$0x1] =	vst.idx.msk $0xffff, v3  }
0x1a8: {  	s13 =	smul.u32 $0x6000, s13;
	s0 =	sshra.s32 s16, $0x2;
	s16 =	sand.u32 $0x280, s17  }
0x1a9: {  	s5 =	sand.u32 $0x300, s5;
	s15 =	smul.u32 $0x6000, s15;
	s0 =	sadd.s32 s0, s26  }
0x1aa: {  	p1 =	slt.u32 s28, $0x10;
	s12 =	smul.u32 $0x6000, s12;
	s14 =	sshra.s32 s14, $0x2  }
0x1ab: {  	s13 =	sshra.s32 s13, $0x2;
	s15 =	sshra.s32 s15, $0x2;
	s14 =	sadd.s32 s14, s25  }
0x1ac: {  	s12 =	sshra.s32 s12, $0x2;
	s13 =	sadd.s32 s13, s25;
	s11 =	sadd.s32 s11, s14  }
.Ltmp12:
0x1ad: {  	s14 =	sadd.s32 s15, s25;
	s5 =	sadd.s32 s5, s13;
	v8 =	vld.idx.msk [tilespmem:v4+s11+$0x0 ss:$0x1], $0xffff;
	(pc) =	sbr.rel @p1 .LBB2_24-.Ltmp12, $4  }
0x1ae: {  	s1 =	sadd.s32 s1, s14;
	s11 =	sadd.s32 s12, s25;
	v7 =	vld.idx.msk [tilespmem:v4+s5+$0x0 ss:$0x1], $0xffff  }
0x1af: {  	s5 =	sadd.s32 s16, s11;
	v6 =	vld.idx.msk [tilespmem:v4+s1+$0x0 ss:$0x1], $0xffff;
	s1 =	sadd.s32 $0xFFFFF480, s29  }
0x1b0: {  	s1 =	sand.u32 $0x200, s1;
	v3 =	vld.idx.msk [tilespmem:v4+s5+$0x0 ss:$0x1], $0xffff  }
0x1b1: {  	s29 =	sadd.s32 $0x200, s29;
	s0 =	sadd.s32 s1, s0  }
0x1b2: {  	_ =	sdelay $0x1  }
0x1b3: {  	p1 =	slt.u32 s10, $0x2E  }
.Ltmp13:
0x1b4: {  	_ = 	snop;
	(pc) =	sbr.rel @p1 .LBB2_21-.Ltmp13, $4  }
0x1b5: {  	[tilespmem:v4+s0+$0x180 ss:$0x1] =	vst.idx.msk $0xffff, v8  }
0x1b6: {  	[tilespmem:v4+s0+$0x100 ss:$0x1] =	vst.idx.msk $0xffff, v7  }
0x1b7: {  	s1 =	sadd.s32 $0x2, s10;
	[tilespmem:v4+s0+$0x0 ss:$0x1] =	vst.idx.msk $0xffff, v6  }
0x1b8: {  	s10 =	smov.u32 s1;
	[tilespmem:v4+s0+$0x80 ss:$0x1] =	vst.idx.msk $0xffff, v3  }
0x1b9: {  	s0 =	smul.u32 $0x4800, s9  }
.Ltmp14:
0x1ba: {  	_ = 	snop;
	(pc) =	sbr.rel @p0 .LBB2_28-.Ltmp14, $4  }
0x1bb: {  	s0 =	sshrl.u32 s0, $0x3  }
0x1bc: {  	s0 =	sadd.s32 s4, s0  }
0x1bd: {  	s0 =	sadd.s32 $0x900, s0  }
0x1be: {  	[hbm4b:s0+s3] =	stream.linear.scatter [tilespmem:s21], [sflag:$0x4], $0x4800, $0x38;
	[tilespmem:$0x18A00] =	vst v63  }
0x1bf: {  	s0 =	smul.u32 $0x140, s6;
	_ =	sdelay $0x1  }
0x1c0: {  	s0 =	sshra.s32 s0, $0x2  }
0x1c1: {  	v3 =	vld [tilespmem:s0+$0x78];
	_ =	sdelay $0x4  }
0x1c2: {  	v4 =	vshrl.u32 v3, $0x3  }
0x1c3: {  	v4 =	vmul.u32 $0x30, v4  }
0x1c4: {  	v3 =	vand.u32 $0x7, v3  }
0x1c5: {  	v3 =	vor.u32 v3, v4  }
0x1c6: {  	v4 =	vperm.xlane v3, v0;
	_ =	sdelay $0x1  }
0x1c7: {  	v4 =	vadd.s32 v1, v4;
	_ =	sdelay $0x3  }
0x1c8: {  	s1 =	simm.s32 $0x11200;
	v3 =	vperm.xlane v3, v2  }
0x1c9: {  	[tilespmem:s1], [sflag:$0x2] =	stream.indirect_vreg.gather [hbm4b:s2+s3], $0x80, v4, vm0, $0xb8;
	[tilespmem:$0x18A00] =	vst v63  }
0x1ca: {  	s12 =	simm.s32 $0x11A00;
	v3 =	vadd.s32 v1, v3  }
0x1cb: {  	[tilespmem:s12], [sflag:$0x2] =	stream.indirect_vreg.gather [hbm4b:s7+s3], $0x80, v4, vm0, $0xb8;
	[tilespmem:$0x18A00] =	vst v63  }
0x1cc: {  	s13 =	simm.s32 $0x12200  }
0x1cd: {  	[tilespmem:s13], [sflag:$0x2] =	stream.indirect_vreg.gather [hbm4b:s8+s3], $0x80, v4, vm0, $0xb8;
	[tilespmem:$0x18A00] =	vst v63  }
0x1ce: {  	s14 =	simm.s32 $0x12A00  }
0x1cf: {  	[tilespmem:s14], [sflag:$0x2] =	stream.indirect_vreg.gather [hbm4b:s2+s3], $0x80, v3, vm0, $0xb8;
	[tilespmem:$0x18A00] =	vst v63  }
0x1d0: {  	s15 =	simm.s32 $0x13200  }
0x1d1: {  	[tilespmem:s15], [sflag:$0x2] =	stream.indirect_vreg.gather [hbm4b:s7+s3], $0x80, v3, vm0, $0xb8;
	[tilespmem:$0x18A00] =	vst v63  }
0x1d2: {  	s16 =	simm.s32 $0x13A00  }
0x1d3: {  	[tilespmem:s16], [sflag:$0x2] =	stream.indirect_vreg.gather [hbm4b:s8+s3], $0x80, v3, vm0, $0xb8;
	[tilespmem:$0x18A00] =	vst v63  }
0x1d4: {  	v3 =	vld [tilespmem:s0+$0x88];
	_ =	sdelay $0x4  }
0x1d5: {  	v62 =	vshrl.u32 v3, $0x3  }
0x1d6: {  	v4 =	vmul.u32 $0x30, v62  }
0x1d7: {  	v3 =	vand.u32 $0x7, v3  }
0x1d8: {  	v3 =	vor.u32 v3, v4  }
0x1d9: {  	v4 =	vperm.xlane v3, v0;
	_ =	sdelay $0x1  }
0x1da: {  	v4 =	vadd.s32 v1, v4;
	_ =	sdelay $0x3  }
0x1db: {  	s17 =	simm.s32 $0x14200;
	v3 =	vperm.xlane v3, v2  }
0x1dc: {  	[tilespmem:s17], [sflag:$0x2] =	stream.indirect_vreg.gather [hbm4b:s2+s3], $0x80, v4, vm0, $0xb8;
	[tilespmem:$0x18A00] =	vst v63  }
0x1dd: {  	s18 =	simm.s32 $0x14A00;
	v3 =	vadd.s32 v1, v3  }
0x1de: {  	[tilespmem:s18], [sflag:$0x2] =	stream.indirect_vreg.gather [hbm4b:s7+s3], $0x80, v4, vm0, $0xb8;
	[tilespmem:$0x18A00] =	vst v63  }
0x1df: {  	s20 =	simm.s32 $0x15200  }
0x1e0: {  	[tilespmem:s20], [sflag:$0x2] =	stream.indirect_vreg.gather [hbm4b:s8+s3], $0x80, v4, vm0, $0xb8;
	[tilespmem:$0x18A00] =	vst v63  }
0x1e1: {  	s25 =	simm.s32 $0x15A00  }
0x1e2: {  	[tilespmem:s25], [sflag:$0x2] =	stream.indirect_vreg.gather [hbm4b:s2+s3], $0x80, v3, vm0, $0xb8;
	[tilespmem:$0x18A00] =	vst v63  }
0x1e3: {  	s26 =	simm.s32 $0x16200  }
0x1e4: {  	[tilespmem:s26], [sflag:$0x2] =	stream.indirect_vreg.gather [hbm4b:s7+s3], $0x80, v3, vm0, $0xb8;
	[tilespmem:$0x18A00] =	vst v63  }
0x1e5: {  	s28 =	simm.s32 $0x16A00  }
0x1e6: {  	[tilespmem:s28], [sflag:$0x2] =	stream.indirect_vreg.gather [hbm4b:s8+s3], $0x80, v3, vm0, $0xb8;
	[tilespmem:$0x18A00] =	vst v63  }
0x1e7: {  	v3 =	vld.msk [tilespmem:s0+$0x98], $0xff;
	_ =	sdelay $0x4  }
0x1e8: {  	v63 =	vshrl.u32 v3, $0x3  }
0x1e9: {  	v4 =	vmul.u32 $0x30, v63  }
0x1ea: {  	v3 =	vand.u32 $0x7, v3  }
0x1eb: {  	v3 =	vor.u32 v3, v4  }
0x1ec: {  	v3 =	vperm.xlane v3, v0;
	_ =	sdelay $0x1  }
0x1ed: {  	v3 =	vadd.s32 v1, v3;
	_ =	sdelay $0x3  }
0x1ee: {  	s29 =	simm.s32 $0x17200  }
0x1ef: {  	[tilespmem:s29], [sflag:$0x2] =	stream.indirect_vreg.gather [hbm4b:s2+s3], $0x80, v3, vm0, $0xb8;
	[tilespmem:$0x18A00] =	vst v63  }
.Ltmp15:
0x1f0: {  	_ = 	snop;
	(pc) =	sbr.rel .LBB2_2-.Ltmp15, $4  }
0x1f1: {  	s30 =	simm.s32 $0x17A00  }
0x1f2: {  	[tilespmem:s30], [sflag:$0x2] =	stream.indirect_vreg.gather [hbm4b:s7+s3], $0x80, v3, vm0, $0xb8;
	[tilespmem:$0x18A00] =	vst v63  }
0x1f3: {  	s31 =	simm.s32 $0x18200;
	s6 =	sadd.s32 $0x1, s6  }
0x1f4: {  	[tilespmem:s31], [sflag:$0x2] =	stream.indirect_vreg.gather [hbm4b:s8+s3], $0x80, v3, vm0, $0xb8;
	[tilespmem:$0x18A00] =	vst v63  }
.LBB2_29:
0x1f5: {  	_ =	sfence.sel $0x180000  }
0x1f6: {  	[bflag:$0x0] =	sbarrier.arrive $0xFFFF  }
0x1f7: {  	_ =	strace $0x9000004A  }
0x1f8: {  	s0 =	stileid.u32;
	[bflag:$0x2] =	sbarrier.arrive $0xFFFF  }
0x1f9: {  	p0 =	sne.s32 s0, $0x0;
	s0 =	rddreg [dreg:$0x2]  }
0x1fa: {  	s0 =	sadd.s32 @!p0 $0x100000, s0  }
0x1fb: {  	[sflag:s0] =	ssyncadd.tile.s32 @!p0 $0x1;
	_ =	shalt  }
.Lfunc_end2:
_tile_overlayer_lowered:
.L_overlay_start_2:
0x1fc: {  	(tag) =	ssettag $0x2  }
0x1fd: {  	s0 =	rddreg [dreg:$0x0];
	s2 =	stileid.u32  }
0x1fe: {  	s1 =	rddreg [dreg:$0x1];
	p0 =	sne.s32 s2, $0x0  }
0x1ff: {  	s3 =	rddreg [dreg:$0x2];
	[bflag:$0x3] =	sbarrier.arrive $0xFFFF;
	s2 =	simm.s32 @!p0 $0x1C05  }
0x200: {  	[timem:s3], [sflag:s2] =	dma.local @!p0 [hbm:s0], s1  }
0x201: {  	s0 =	simm.s32 @!p0 $0x5  }
0x202: {  	_ =	swait.ge @!p0 [sflag:s0], s1  }
0x203: {  	s1 =	ssub.s32 @!p0 $0x0, s1;
	[sflag:s0] =	ssyncset.done @!p0 $0x0  }
0x204: {  	[sflag:s0] =	ssyncadd.s32 @!p0 s1  }
0x205: {  	[bflag:$0x3] =	sbarrier.arrive $0xFFFF  }
0x206: {  	_ =	shalt  }

</sc_bundles>
